<compile_context>
chip_gen: v7x
topology: tpu7x:2x2x1
jax: 0.10.2.dev20260603
libtpu: 0.0.44.dev20260713+nightly
codegen_flags: <defaults>
</compile_context>

<pallas_src>
import functools

import jax
import jax.numpy as jnp
import numpy as np
from jax import lax
from jax.experimental import pallas as pl
from jax.experimental.pallas import tpu as pltpu
from jax.experimental.pallas import tpu_sc as plsc

L = 16
NC = 2
NS = 16
NW = NC * NS
B = 16384
D = 128
BPW = B // NW
CH = 128
NCHUNK = BPW // CH
NG = CH // L
R_MIN = np.float32(1.0)
R_RANGE = np.float32(4.0)


def _sc_predict(uid3, iid3, user_factor, item_factor, user_bias, item_bias,
                bias16):
    mesh = plsc.VectorSubcoreMesh(core_axis_name="c", subcore_axis_name="s")

    @functools.partial(
        pl.kernel,
        mesh=mesh,
        compiler_params=pltpu.CompilerParams(needs_layout_passes=False),
        out_type=jax.ShapeDtypeStruct((B,), jnp.float32),
        scratch_types=[
            pltpu.VMEM((NCHUNK, CH), jnp.int32),
            pltpu.VMEM((NCHUNK, CH), jnp.int32),
            pltpu.VMEM((CH, D), jnp.float32),
            pltpu.VMEM((CH, D), jnp.float32),
            pltpu.VMEM((CH, D), jnp.float32),
            pltpu.VMEM((CH, D), jnp.float32),
            pltpu.VMEM((CH, D), jnp.float32),
            pltpu.VMEM((CH, D), jnp.float32),
            pltpu.VMEM((CH,), jnp.float32),
            pltpu.VMEM((CH,), jnp.float32),
            pltpu.VMEM((CH,), jnp.float32),
            pltpu.VMEM((CH,), jnp.float32),
            pltpu.VMEM((CH,), jnp.float32),
            pltpu.VMEM((CH,), jnp.float32),
            pltpu.VMEM((BPW,), jnp.float32),
            pltpu.VMEM((L,), jnp.float32),
            pltpu.SemaphoreType.DMA,
            pltpu.SemaphoreType.DMA,
            pltpu.SemaphoreType.DMA,
            pltpu.SemaphoreType.DMA,
            pltpu.SemaphoreType.DMA,
            pltpu.SemaphoreType.DMA,
            pltpu.SemaphoreType.DMA,
            pltpu.SemaphoreType.DMA,
            pltpu.SemaphoreType.DMA,
            pltpu.SemaphoreType.DMA,
            pltpu.SemaphoreType.DMA,
            pltpu.SemaphoreType.DMA,
        ],
    )
    def k(uid_h, iid_h, uf_h, itf_h, ub_h, ib_h, bias_h, out_h,
          uid_v, iid_v, ufr0, itr0, ufr1, itr1, ufr2, itr2,
          ubr0, ibr0, ubr1, ibr1, ubr2, ibr2,
          outv, biasv, s0, s1, s2, s3, s4, s5, s6, s7, s8, s9, s10, s11):
        wid = lax.axis_index("s") * NC + lax.axis_index("c")
        pltpu.sync_copy(uid_h.at[wid], uid_v)
        pltpu.sync_copy(iid_h.at[wid], iid_v)
        pltpu.sync_copy(bias_h, biasv)
        bvec = biasv[...]
        lanes = lax.iota(jnp.int32, L)
        bufs = [
            (ufr0, itr0, ubr0, ibr0, (s0, s1, s2, s3)),
            (ufr1, itr1, ubr1, ibr1, (s4, s5, s6, s7)),
            (ufr2, itr2, ubr2, ibr2, (s8, s9, s10, s11)),
        ]
        NBUF = len(bufs)

        def issue(c, buf):
            ufr, itr, ubr, ibr, ss = buf
            return [
                pltpu.async_copy(uf_h.at[uid_v.at[c]], ufr, ss[0]),
                pltpu.async_copy(itf_h.at[iid_v.at[c]], itr, ss[1]),
                pltpu.async_copy(ub_h.at[uid_v.at[c]], ubr, ss[2]),
                pltpu.async_copy(ib_h.at[iid_v.at[c]], ibr, ss[3]),
            ]

        pending = {c: issue(c, bufs[c]) for c in range(min(NBUF, NCHUNK))}
        for c in range(NCHUNK):
            ufr, itr, ubr, ibr, _ = bufs[c % NBUF]
            for cp in pending.pop(c):
                cp.wait()

            def group_body(g, carry2, ufr=ufr, itr=itr, ubr=ubr, ibr=ibr,
                           c=c):
                rowbase = g * L

                @plsc.parallel_loop(0, L, carry=jnp.zeros((L,), jnp.float32),
                                    unroll=4)
                def rowsum(r, cur):
                    row = rowbase + r
                    acc = ufr[row, pl.ds(0, L)] * itr[row, pl.ds(0, L)]
                    for kk in range(1, D // L):
                        acc = acc + (ufr[row, pl.ds(kk * L, L)] *
                                     itr[row, pl.ds(kk * L, L)])
                    return jnp.where(lanes == r, jnp.sum(acc), cur)

                off = pl.multiple_of(rowbase, L)
                logits = (rowsum + ubr[pl.ds(off, L)] + ibr[pl.ds(off, L)]
                          + bvec)
                e = jnp.exp(-logits)
                pred = R_MIN + R_RANGE / (np.float32(1.0) + e)
                oout = pl.multiple_of(c * CH + rowbase, L)
                outv[pl.ds(oout, L)] = pred
                return carry2

            lax.fori_loop(0, NG, group_body, 0)
            if c + NBUF < NCHUNK:
                pending[c + NBUF] = issue(c + NBUF, bufs[(c + NBUF) % NBUF])

        obase = pl.multiple_of(wid * BPW, BPW)
        pltpu.sync_copy(outv, out_h.at[pl.ds(obase, BPW)])

    return k(uid3, iid3, user_factor, item_factor, user_bias, item_bias,
             bias16)


def kernel(user_id, item_id, user_factor, item_factor, user_bias, item_bias,
           bias):
    uid3 = user_id.reshape(NW, NCHUNK, CH)
    iid3 = item_id.reshape(NW, NCHUNK, CH)
    bias16 = jnp.broadcast_to(jnp.reshape(bias, (1,)), (L,))
    return _sc_predict(uid3, iid3, user_factor, item_factor, user_bias,
                       item_bias, bias16)

# --- scband reference (transcript-rebuilt; emitter-appended) ---
"""Pipeline reference for scband-svd-11493332484276 (READ-ONLY COPY).

The authoritative reference and input builder live on the scoring server;
editing this copy changes nothing except your own understanding.
"""

import jax, jax.numpy as jnp
import numpy as np

N_USER = 100000
N_ITEM = 1000000
RANK = 128
BATCH = 16384
R_MIN = 1.0
R_RANGE = 4.0

def setup_inputs(seed: int = 0) -> dict:
    key = jax.random.key(seed)
    k1, k2, k3, k4 = jax.random.split(key, 4)
    user_id = jax.random.randint(k1, (BATCH,), 0, N_USER, dtype=jnp.int64 if jax.config.jax_enable_x64 else jnp.int32).astype(jnp.int32)
    item_id = jax.random.randint(k2, (BATCH,), 0, N_ITEM, dtype=jnp.int64 if jax.config.jax_enable_x64 else jnp.int32).astype(jnp.int32)
    user_factor = jax.random.normal(k3, (N_USER, RANK), dtype=jnp.float32) * 0.05
    item_factor = jax.random.normal(k4, (N_ITEM, RANK), dtype=jnp.float32) * 0.05
    user_bias = jnp.zeros((N_USER,), dtype=jnp.float32)
    item_bias = jnp.zeros((N_ITEM,), dtype=jnp.float32)
    bias = jnp.zeros((), dtype=jnp.float32)
    return {"user_id": user_id, "item_id": item_id, "user_factor": user_factor, "item_factor": item_factor, "user_bias": user_bias, "item_bias": item_bias, "bias": bias}

def reference(user_id, item_id, user_factor, item_factor, user_bias, item_bias, bias):
    # embedding lookups (gathers)
    uf = jnp.take(user_factor, user_id, axis=0)            # [B, rank]
    itf = jnp.take(item_factor, item_id, axis=0)           # [B, rank]
    ub = jnp.take(user_bias, user_id, axis=0)              # [B]
    ib = jnp.take(item_bias, item_id, axis=0)              # [B]
    logits = jnp.sum(uf * itf, axis=1) + ub + ib + bias
    r_pred = R_MIN + R_RANGE * jax.nn.sigmoid(logits)
    return r_pred

if __name__ == "__main__":
    import jax
    _d = setup_inputs()
    print(jax.jit(kernel)(*tuple(_d.values())))

</pallas_src>

<mosaic_0001>
#map = affine_map<(d0, d1) -> (0, 0, 0)>
#map1 = affine_map<(d0, d1) -> (0, 0)>
#map2 = affine_map<(d0, d1) -> (0)>
module attributes {stable_mosaic.version = 14 : i64} {
  func.func @k(%arg0: i32, %arg1: i32, %arg2: memref<32x4x128xi32, #tpu.memory_space<hbm>>, %arg3: memref<32x4x128xi32, #tpu.memory_space<hbm>>, %arg4: memref<100000x128xf32, #tpu.memory_space<hbm>>, %arg5: memref<1000000x128xf32, #tpu.memory_space<hbm>>, %arg6: memref<100000xf32, #tpu.memory_space<hbm>>, %arg7: memref<1000000xf32, #tpu.memory_space<hbm>>, %arg8: memref<16xf32, #tpu.memory_space<hbm>>, %arg9: memref<16384xf32, #tpu.memory_space<hbm>>, %arg10: memref<4x128xi32, #tpu.memory_space<vmem>>, %arg11: memref<4x128xi32, #tpu.memory_space<vmem>>, %arg12: memref<128x128xf32, #tpu.memory_space<vmem>>, %arg13: memref<128x128xf32, #tpu.memory_space<vmem>>, %arg14: memref<128x128xf32, #tpu.memory_space<vmem>>, %arg15: memref<128x128xf32, #tpu.memory_space<vmem>>, %arg16: memref<128x128xf32, #tpu.memory_space<vmem>>, %arg17: memref<128x128xf32, #tpu.memory_space<vmem>>, %arg18: memref<128xf32, #tpu.memory_space<vmem>>, %arg19: memref<128xf32, #tpu.memory_space<vmem>>, %arg20: memref<128xf32, #tpu.memory_space<vmem>>, %arg21: memref<128xf32, #tpu.memory_space<vmem>>, %arg22: memref<128xf32, #tpu.memory_space<vmem>>, %arg23: memref<128xf32, #tpu.memory_space<vmem>>, %arg24: memref<512xf32, #tpu.memory_space<vmem>>, %arg25: memref<16xf32, #tpu.memory_space<vmem>>, %arg26: memref<!tpu.dma_semaphore, #tpu.memory_space<semaphore_mem>>, %arg27: memref<!tpu.dma_semaphore, #tpu.memory_space<semaphore_mem>>, %arg28: memref<!tpu.dma_semaphore, #tpu.memory_space<semaphore_mem>>, %arg29: memref<!tpu.dma_semaphore, #tpu.memory_space<semaphore_mem>>, %arg30: memref<!tpu.dma_semaphore, #tpu.memory_space<semaphore_mem>>, %arg31: memref<!tpu.dma_semaphore, #tpu.memory_space<semaphore_mem>>, %arg32: memref<!tpu.dma_semaphore, #tpu.memory_space<semaphore_mem>>, %arg33: memref<!tpu.dma_semaphore, #tpu.memory_space<semaphore_mem>>, %arg34: memref<!tpu.dma_semaphore, #tpu.memory_space<semaphore_mem>>, %arg35: memref<!tpu.dma_semaphore, #tpu.memory_space<semaphore_mem>>, %arg36: memref<!tpu.dma_semaphore, #tpu.memory_space<semaphore_mem>>, %arg37: memref<!tpu.dma_semaphore, #tpu.memory_space<semaphore_mem>>) attributes {dimension_semantics = [#tpu.dimension_semantics<core_parallel>, #tpu.dimension_semantics<subcore_parallel>], iteration_bounds = array<i64: 2, 16>, scalar_prefetch = 0 : i64, scratch_operands = 28 : i64, tpu.core_type = #tpu.core_type<sc_vector_subcore>, window_params = [{transform_indices = #map}, {transform_indices = #map}, {transform_indices = #map1}, {transform_indices = #map1}, {transform_indices = #map2}, {transform_indices = #map2}, {transform_indices = #map2}, {transform_indices = #map2}]} {
    %mul3A = arith.constant 2 : i32
    %mul3A_0 = arith.muli %arg1, %mul3A : i32
    %add3A = arith.addi %mul3A_0, %arg0 : i32
    "tpu.region"() ({
      %run_scoped3A = tpu.sem_alloc : memref<!tpu.dma_semaphore, #tpu.memory_space<semaphore_mem>>
      %dma_start3A_233 = arith.constant 0 : i32
      %dma_start3A_234 = arith.constant 0 : i32
      %dma_start3A_235 = tpu.memref_slice %arg2[%add3A, %dma_start3A_233, %dma_start3A_234] : memref<32x4x128xi32, #tpu.memory_space<hbm>> -> memref<1x4x128xi32, #tpu.memory_space<hbm>>
      %dma_start3A_236 = tpu.memref_squeeze %dma_start3A_235 : memref<1x4x128xi32, #tpu.memory_space<hbm>> -> memref<4x128xi32, #tpu.memory_space<hbm>>
      %dma_start3A_237 = arith.constant 0 : i32
      %dma_start3A_238 = arith.constant 0 : i32
      %dma_start3A_239 = tpu.memref_slice %arg2[%add3A, %dma_start3A_237, %dma_start3A_238] : memref<32x4x128xi32, #tpu.memory_space<hbm>> -> memref<1x4x128xi32, #tpu.memory_space<hbm>>
      %dma_start3A_240 = tpu.memref_squeeze %dma_start3A_239 : memref<1x4x128xi32, #tpu.memory_space<hbm>> -> memref<4x128xi32, #tpu.memory_space<hbm>>
      tpu.enqueue_dma source(%dma_start3A_240 : memref<4x128xi32, #tpu.memory_space<hbm>>) target(%arg10 : memref<4x128xi32, #tpu.memory_space<vmem>>) target_semaphore(%run_scoped3A : memref<!tpu.dma_semaphore, #tpu.memory_space<semaphore_mem>>)
      %dma_wait3A_241 = arith.constant 0 : i32
      %dma_wait3A_242 = arith.constant 0 : i32
      %dma_wait3A_243 = tpu.memref_slice %arg2[%add3A, %dma_wait3A_241, %dma_wait3A_242] : memref<32x4x128xi32, #tpu.memory_space<hbm>> -> memref<1x4x128xi32, #tpu.memory_space<hbm>>
      %dma_wait3A_244 = tpu.memref_squeeze %dma_wait3A_243 : memref<1x4x128xi32, #tpu.memory_space<hbm>> -> memref<4x128xi32, #tpu.memory_space<hbm>>
      %dma_wait3A_245 = arith.constant 0 : i32
      %dma_wait3A_246 = arith.constant 0 : i32
      %dma_wait3A_247 = tpu.memref_slice %arg2[%add3A, %dma_wait3A_245, %dma_wait3A_246] : memref<32x4x128xi32, #tpu.memory_space<hbm>> -> memref<1x4x128xi32, #tpu.memory_space<hbm>>
      %dma_wait3A_248 = tpu.memref_squeeze %dma_wait3A_247 : memref<1x4x128xi32, #tpu.memory_space<hbm>> -> memref<4x128xi32, #tpu.memory_space<hbm>>
      tpu.wait_dma2 semaphore(%run_scoped3A : memref<!tpu.dma_semaphore, #tpu.memory_space<semaphore_mem>>) src(%dma_wait3A_248 : memref<4x128xi32, #tpu.memory_space<hbm>>) dst(%arg10 : memref<4x128xi32, #tpu.memory_space<vmem>>)
      tpu.yield
    }) : () -> ()
    "tpu.region"() ({
      %run_scoped3A = tpu.sem_alloc : memref<!tpu.dma_semaphore, #tpu.memory_space<semaphore_mem>>
      %dma_start3A_233 = arith.constant 0 : i32
      %dma_start3A_234 = arith.constant 0 : i32
      %dma_start3A_235 = tpu.memref_slice %arg3[%add3A, %dma_start3A_233, %dma_start3A_234] : memref<32x4x128xi32, #tpu.memory_space<hbm>> -> memref<1x4x128xi32, #tpu.memory_space<hbm>>
      %dma_start3A_236 = tpu.memref_squeeze %dma_start3A_235 : memref<1x4x128xi32, #tpu.memory_space<hbm>> -> memref<4x128xi32, #tpu.memory_space<hbm>>
      %dma_start3A_237 = arith.constant 0 : i32
      %dma_start3A_238 = arith.constant 0 : i32
      %dma_start3A_239 = tpu.memref_slice %arg3[%add3A, %dma_start3A_237, %dma_start3A_238] : memref<32x4x128xi32, #tpu.memory_space<hbm>> -> memref<1x4x128xi32, #tpu.memory_space<hbm>>
      %dma_start3A_240 = tpu.memref_squeeze %dma_start3A_239 : memref<1x4x128xi32, #tpu.memory_space<hbm>> -> memref<4x128xi32, #tpu.memory_space<hbm>>
      tpu.enqueue_dma source(%dma_start3A_240 : memref<4x128xi32, #tpu.memory_space<hbm>>) target(%arg11 : memref<4x128xi32, #tpu.memory_space<vmem>>) target_semaphore(%run_scoped3A : memref<!tpu.dma_semaphore, #tpu.memory_space<semaphore_mem>>)
      %dma_wait3A_241 = arith.constant 0 : i32
      %dma_wait3A_242 = arith.constant 0 : i32
      %dma_wait3A_243 = tpu.memref_slice %arg3[%add3A, %dma_wait3A_241, %dma_wait3A_242] : memref<32x4x128xi32, #tpu.memory_space<hbm>> -> memref<1x4x128xi32, #tpu.memory_space<hbm>>
      %dma_wait3A_244 = tpu.memref_squeeze %dma_wait3A_243 : memref<1x4x128xi32, #tpu.memory_space<hbm>> -> memref<4x128xi32, #tpu.memory_space<hbm>>
      %dma_wait3A_245 = arith.constant 0 : i32
      %dma_wait3A_246 = arith.constant 0 : i32
      %dma_wait3A_247 = tpu.memref_slice %arg3[%add3A, %dma_wait3A_245, %dma_wait3A_246] : memref<32x4x128xi32, #tpu.memory_space<hbm>> -> memref<1x4x128xi32, #tpu.memory_space<hbm>>
      %dma_wait3A_248 = tpu.memref_squeeze %dma_wait3A_247 : memref<1x4x128xi32, #tpu.memory_space<hbm>> -> memref<4x128xi32, #tpu.memory_space<hbm>>
      tpu.wait_dma2 semaphore(%run_scoped3A : memref<!tpu.dma_semaphore, #tpu.memory_space<semaphore_mem>>) src(%dma_wait3A_248 : memref<4x128xi32, #tpu.memory_space<hbm>>) dst(%arg11 : memref<4x128xi32, #tpu.memory_space<vmem>>)
      tpu.yield
    }) : () -> ()
    "tpu.region"() ({
      %run_scoped3A = tpu.sem_alloc : memref<!tpu.dma_semaphore, #tpu.memory_space<semaphore_mem>>
      tpu.enqueue_dma source(%arg8 : memref<16xf32, #tpu.memory_space<hbm>>) target(%arg25 : memref<16xf32, #tpu.memory_space<vmem>>) target_semaphore(%run_scoped3A : memref<!tpu.dma_semaphore, #tpu.memory_space<semaphore_mem>>)
      tpu.wait_dma2 semaphore(%run_scoped3A : memref<!tpu.dma_semaphore, #tpu.memory_space<semaphore_mem>>) src(%arg8 : memref<16xf32, #tpu.memory_space<hbm>>) dst(%arg25 : memref<16xf32, #tpu.memory_space<vmem>>)
      tpu.yield
    }) : () -> ()
    %get3A = arith.constant 0 : index
    %get3A_1 = tpu.vector_load %arg25[%get3A] {strides = array<i32>} : memref<16xf32, #tpu.memory_space<vmem>>, vector<16xf32>,
    %iota3A = tpu.iota {dimensions = array<i32: 0>} : vector<16xi32>
    %dma_start3A = arith.constant 0 : i32
    %dma_start3A_2 = arith.constant 0 : i32
    %dma_start3A_3 = tpu.memref_slice %arg10[%dma_start3A, %dma_start3A_2] : memref<4x128xi32, #tpu.memory_space<vmem>> -> memref<1x128xi32, #tpu.memory_space<vmem>>
    %dma_start3A_4 = tpu.memref_squeeze %dma_start3A_3 : memref<1x128xi32, #tpu.memory_space<vmem>> -> memref<128xi32, #tpu.memory_space<vmem>>
    %dma_start3A_5 = arith.constant 0 : i32
    %dma_start3A_6 = arith.constant 0 : i32
    %dma_start3A_7 = tpu.memref_slice %arg4[%dma_start3A_5, %dma_start3A_6] : memref<100000x128xf32, #tpu.memory_space<hbm>> -> memref<100000x128xf32, #tpu.memory_space<hbm>>
    tpu.enqueue_indirect_dma source(%dma_start3A_7 : memref<100000x128xf32, #tpu.memory_space<hbm>>) target(%arg12 : memref<128x128xf32, #tpu.memory_space<vmem>>) offsets(%dma_start3A_4 : memref<128xi32, #tpu.memory_space<vmem>>) semaphore(%arg26 : memref<!tpu.dma_semaphore, #tpu.memory_space<semaphore_mem>>)
    %dma_start3A_8 = arith.constant 0 : i32
    %dma_start3A_9 = arith.constant 0 : i32
    %dma_start3A_10 = tpu.memref_slice %arg11[%dma_start3A_8, %dma_start3A_9] : memref<4x128xi32, #tpu.memory_space<vmem>> -> memref<1x128xi32, #tpu.memory_space<vmem>>
    %dma_start3A_11 = tpu.memref_squeeze %dma_start3A_10 : memref<1x128xi32, #tpu.memory_space<vmem>> -> memref<128xi32, #tpu.memory_space<vmem>>
    %dma_start3A_12 = arith.constant 0 : i32
    %dma_start3A_13 = arith.constant 0 : i32
    %dma_start3A_14 = tpu.memref_slice %arg5[%dma_start3A_12, %dma_start3A_13] : memref<1000000x128xf32, #tpu.memory_space<hbm>> -> memref<1000000x128xf32, #tpu.memory_space<hbm>>
    tpu.enqueue_indirect_dma source(%dma_start3A_14 : memref<1000000x128xf32, #tpu.memory_space<hbm>>) target(%arg13 : memref<128x128xf32, #tpu.memory_space<vmem>>) offsets(%dma_start3A_11 : memref<128xi32, #tpu.memory_space<vmem>>) semaphore(%arg27 : memref<!tpu.dma_semaphore, #tpu.memory_space<semaphore_mem>>)
    %dma_start3A_15 = arith.constant 0 : i32
    %dma_start3A_16 = arith.constant 0 : i32
    %dma_start3A_17 = tpu.memref_slice %arg10[%dma_start3A_15, %dma_start3A_16] : memref<4x128xi32, #tpu.memory_space<vmem>> -> memref<1x128xi32, #tpu.memory_space<vmem>>
    %dma_start3A_18 = tpu.memref_squeeze %dma_start3A_17 : memref<1x128xi32, #tpu.memory_space<vmem>> -> memref<128xi32, #tpu.memory_space<vmem>>
    %dma_start3A_19 = arith.constant 0 : i32
    %dma_start3A_20 = tpu.memref_slice %arg6[%dma_start3A_19] : memref<100000xf32, #tpu.memory_space<hbm>> -> memref<100000xf32, #tpu.memory_space<hbm>>
    tpu.enqueue_indirect_dma source(%dma_start3A_20 : memref<100000xf32, #tpu.memory_space<hbm>>) target(%arg18 : memref<128xf32, #tpu.memory_space<vmem>>) offsets(%dma_start3A_18 : memref<128xi32, #tpu.memory_space<vmem>>) semaphore(%arg28 : memref<!tpu.dma_semaphore, #tpu.memory_space<semaphore_mem>>)
    %dma_start3A_21 = arith.constant 0 : i32
    %dma_start3A_22 = arith.constant 0 : i32
    %dma_start3A_23 = tpu.memref_slice %arg11[%dma_start3A_21, %dma_start3A_22] : memref<4x128xi32, #tpu.memory_space<vmem>> -> memref<1x128xi32, #tpu.memory_space<vmem>>
    %dma_start3A_24 = tpu.memref_squeeze %dma_start3A_23 : memref<1x128xi32, #tpu.memory_space<vmem>> -> memref<128xi32, #tpu.memory_space<vmem>>
    %dma_start3A_25 = arith.constant 0 : i32
    %dma_start3A_26 = tpu.memref_slice %arg7[%dma_start3A_25] : memref<1000000xf32, #tpu.memory_space<hbm>> -> memref<1000000xf32, #tpu.memory_space<hbm>>
    tpu.enqueue_indirect_dma source(%dma_start3A_26 : memref<1000000xf32, #tpu.memory_space<hbm>>) target(%arg19 : memref<128xf32, #tpu.memory_space<vmem>>) offsets(%dma_start3A_24 : memref<128xi32, #tpu.memory_space<vmem>>) semaphore(%arg29 : memref<!tpu.dma_semaphore, #tpu.memory_space<semaphore_mem>>)
    %dma_start3A_27 = arith.constant 1 : i32
    %dma_start3A_28 = arith.constant 0 : i32
    %dma_start3A_29 = tpu.memref_slice %arg10[%dma_start3A_27, %dma_start3A_28] : memref<4x128xi32, #tpu.memory_space<vmem>> -> memref<1x128xi32, #tpu.memory_space<vmem>>
    %dma_start3A_30 = tpu.memref_squeeze %dma_start3A_29 : memref<1x128xi32, #tpu.memory_space<vmem>> -> memref<128xi32, #tpu.memory_space<vmem>>
    %dma_start3A_31 = arith.constant 0 : i32
    %dma_start3A_32 = arith.constant 0 : i32
    %dma_start3A_33 = tpu.memref_slice %arg4[%dma_start3A_31, %dma_start3A_32] : memref<100000x128xf32, #tpu.memory_space<hbm>> -> memref<100000x128xf32, #tpu.memory_space<hbm>>
    tpu.enqueue_indirect_dma source(%dma_start3A_33 : memref<100000x128xf32, #tpu.memory_space<hbm>>) target(%arg14 : memref<128x128xf32, #tpu.memory_space<vmem>>) offsets(%dma_start3A_30 : memref<128xi32, #tpu.memory_space<vmem>>) semaphore(%arg30 : memref<!tpu.dma_semaphore, #tpu.memory_space<semaphore_mem>>)
    %dma_start3A_34 = arith.constant 1 : i32
    %dma_start3A_35 = arith.constant 0 : i32
    %dma_start3A_36 = tpu.memref_slice %arg11[%dma_start3A_34, %dma_start3A_35] : memref<4x128xi32, #tpu.memory_space<vmem>> -> memref<1x128xi32, #tpu.memory_space<vmem>>
    %dma_start3A_37 = tpu.memref_squeeze %dma_start3A_36 : memref<1x128xi32, #tpu.memory_space<vmem>> -> memref<128xi32, #tpu.memory_space<vmem>>
    %dma_start3A_38 = arith.constant 0 : i32
    %dma_start3A_39 = arith.constant 0 : i32
    %dma_start3A_40 = tpu.memref_slice %arg5[%dma_start3A_38, %dma_start3A_39] : memref<1000000x128xf32, #tpu.memory_space<hbm>> -> memref<1000000x128xf32, #tpu.memory_space<hbm>>
    tpu.enqueue_indirect_dma source(%dma_start3A_40 : memref<1000000x128xf32, #tpu.memory_space<hbm>>) target(%arg15 : memref<128x128xf32, #tpu.memory_space<vmem>>) offsets(%dma_start3A_37 : memref<128xi32, #tpu.memory_space<vmem>>) semaphore(%arg31 : memref<!tpu.dma_semaphore, #tpu.memory_space<semaphore_mem>>)
    %dma_start3A_41 = arith.constant 1 : i32
    %dma_start3A_42 = arith.constant 0 : i32
    %dma_start3A_43 = tpu.memref_slice %arg10[%dma_start3A_41, %dma_start3A_42] : memref<4x128xi32, #tpu.memory_space<vmem>> -> memref<1x128xi32, #tpu.memory_space<vmem>>
    %dma_start3A_44 = tpu.memref_squeeze %dma_start3A_43 : memref<1x128xi32, #tpu.memory_space<vmem>> -> memref<128xi32, #tpu.memory_space<vmem>>
    %dma_start3A_45 = arith.constant 0 : i32
    %dma_start3A_46 = tpu.memref_slice %arg6[%dma_start3A_45] : memref<100000xf32, #tpu.memory_space<hbm>> -> memref<100000xf32, #tpu.memory_space<hbm>>
    tpu.enqueue_indirect_dma source(%dma_start3A_46 : memref<100000xf32, #tpu.memory_space<hbm>>) target(%arg20 : memref<128xf32, #tpu.memory_space<vmem>>) offsets(%dma_start3A_44 : memref<128xi32, #tpu.memory_space<vmem>>) semaphore(%arg32 : memref<!tpu.dma_semaphore, #tpu.memory_space<semaphore_mem>>)
    %dma_start3A_47 = arith.constant 1 : i32
    %dma_start3A_48 = arith.constant 0 : i32
    %dma_start3A_49 = tpu.memref_slice %arg11[%dma_start3A_47, %dma_start3A_48] : memref<4x128xi32, #tpu.memory_space<vmem>> -> memref<1x128xi32, #tpu.memory_space<vmem>>
    %dma_start3A_50 = tpu.memref_squeeze %dma_start3A_49 : memref<1x128xi32, #tpu.memory_space<vmem>> -> memref<128xi32, #tpu.memory_space<vmem>>
    %dma_start3A_51 = arith.constant 0 : i32
    %dma_start3A_52 = tpu.memref_slice %arg7[%dma_start3A_51] : memref<1000000xf32, #tpu.memory_space<hbm>> -> memref<1000000xf32, #tpu.memory_space<hbm>>
    tpu.enqueue_indirect_dma source(%dma_start3A_52 : memref<1000000xf32, #tpu.memory_space<hbm>>) target(%arg21 : memref<128xf32, #tpu.memory_space<vmem>>) offsets(%dma_start3A_50 : memref<128xi32, #tpu.memory_space<vmem>>) semaphore(%arg33 : memref<!tpu.dma_semaphore, #tpu.memory_space<semaphore_mem>>)
    %dma_start3A_53 = arith.constant 2 : i32
    %dma_start3A_54 = arith.constant 0 : i32
    %dma_start3A_55 = tpu.memref_slice %arg10[%dma_start3A_53, %dma_start3A_54] : memref<4x128xi32, #tpu.memory_space<vmem>> -> memref<1x128xi32, #tpu.memory_space<vmem>>
    %dma_start3A_56 = tpu.memref_squeeze %dma_start3A_55 : memref<1x128xi32, #tpu.memory_space<vmem>> -> memref<128xi32, #tpu.memory_space<vmem>>
    %dma_start3A_57 = arith.constant 0 : i32
    %dma_start3A_58 = arith.constant 0 : i32
    %dma_start3A_59 = tpu.memref_slice %arg4[%dma_start3A_57, %dma_start3A_58] : memref<100000x128xf32, #tpu.memory_space<hbm>> -> memref<100000x128xf32, #tpu.memory_space<hbm>>
    tpu.enqueue_indirect_dma source(%dma_start3A_59 : memref<100000x128xf32, #tpu.memory_space<hbm>>) target(%arg16 : memref<128x128xf32, #tpu.memory_space<vmem>>) offsets(%dma_start3A_56 : memref<128xi32, #tpu.memory_space<vmem>>) semaphore(%arg34 : memref<!tpu.dma_semaphore, #tpu.memory_space<semaphore_mem>>)
    %dma_start3A_60 = arith.constant 2 : i32
    %dma_start3A_61 = arith.constant 0 : i32
    %dma_start3A_62 = tpu.memref_slice %arg11[%dma_start3A_60, %dma_start3A_61] : memref<4x128xi32, #tpu.memory_space<vmem>> -> memref<1x128xi32, #tpu.memory_space<vmem>>
    %dma_start3A_63 = tpu.memref_squeeze %dma_start3A_62 : memref<1x128xi32, #tpu.memory_space<vmem>> -> memref<128xi32, #tpu.memory_space<vmem>>
    %dma_start3A_64 = arith.constant 0 : i32
    %dma_start3A_65 = arith.constant 0 : i32
    %dma_start3A_66 = tpu.memref_slice %arg5[%dma_start3A_64, %dma_start3A_65] : memref<1000000x128xf32, #tpu.memory_space<hbm>> -> memref<1000000x128xf32, #tpu.memory_space<hbm>>
    tpu.enqueue_indirect_dma source(%dma_start3A_66 : memref<1000000x128xf32, #tpu.memory_space<hbm>>) target(%arg17 : memref<128x128xf32, #tpu.memory_space<vmem>>) offsets(%dma_start3A_63 : memref<128xi32, #tpu.memory_space<vmem>>) semaphore(%arg35 : memref<!tpu.dma_semaphore, #tpu.memory_space<semaphore_mem>>)
    %dma_start3A_67 = arith.constant 2 : i32
    %dma_start3A_68 = arith.constant 0 : i32
    %dma_start3A_69 = tpu.memref_slice %arg10[%dma_start3A_67, %dma_start3A_68] : memref<4x128xi32, #tpu.memory_space<vmem>> -> memref<1x128xi32, #tpu.memory_space<vmem>>
    %dma_start3A_70 = tpu.memref_squeeze %dma_start3A_69 : memref<1x128xi32, #tpu.memory_space<vmem>> -> memref<128xi32, #tpu.memory_space<vmem>>
    %dma_start3A_71 = arith.constant 0 : i32
    %dma_start3A_72 = tpu.memref_slice %arg6[%dma_start3A_71] : memref<100000xf32, #tpu.memory_space<hbm>> -> memref<100000xf32, #tpu.memory_space<hbm>>
    tpu.enqueue_indirect_dma source(%dma_start3A_72 : memref<100000xf32, #tpu.memory_space<hbm>>) target(%arg22 : memref<128xf32, #tpu.memory_space<vmem>>) offsets(%dma_start3A_70 : memref<128xi32, #tpu.memory_space<vmem>>) semaphore(%arg36 : memref<!tpu.dma_semaphore, #tpu.memory_space<semaphore_mem>>)
    %dma_start3A_73 = arith.constant 2 : i32
    %dma_start3A_74 = arith.constant 0 : i32
    %dma_start3A_75 = tpu.memref_slice %arg11[%dma_start3A_73, %dma_start3A_74] : memref<4x128xi32, #tpu.memory_space<vmem>> -> memref<1x128xi32, #tpu.memory_space<vmem>>
    %dma_start3A_76 = tpu.memref_squeeze %dma_start3A_75 : memref<1x128xi32, #tpu.memory_space<vmem>> -> memref<128xi32, #tpu.memory_space<vmem>>
    %dma_start3A_77 = arith.constant 0 : i32
    %dma_start3A_78 = tpu.memref_slice %arg7[%dma_start3A_77] : memref<1000000xf32, #tpu.memory_space<hbm>> -> memref<1000000xf32, #tpu.memory_space<hbm>>
    tpu.enqueue_indirect_dma source(%dma_start3A_78 : memref<1000000xf32, #tpu.memory_space<hbm>>) target(%arg23 : memref<128xf32, #tpu.memory_space<vmem>>) offsets(%dma_start3A_76 : memref<128xi32, #tpu.memory_space<vmem>>) semaphore(%arg37 : memref<!tpu.dma_semaphore, #tpu.memory_space<semaphore_mem>>)
    %dma_wait3A = arith.constant 0 : i32
    %dma_wait3A_79 = arith.constant 0 : i32
    %dma_wait3A_80 = tpu.memref_slice %arg10[%dma_wait3A, %dma_wait3A_79] : memref<4x128xi32, #tpu.memory_space<vmem>> -> memref<1x128xi32, #tpu.memory_space<vmem>>
    %dma_wait3A_81 = tpu.memref_squeeze %dma_wait3A_80 : memref<1x128xi32, #tpu.memory_space<vmem>> -> memref<128xi32, #tpu.memory_space<vmem>>
    %dma_wait3A_82 = arith.constant 0 : i32
    %dma_wait3A_83 = arith.constant 0 : i32
    %dma_wait3A_84 = tpu.memref_slice %arg4[%dma_wait3A_82, %dma_wait3A_83] : memref<100000x128xf32, #tpu.memory_space<hbm>> -> memref<100000x128xf32, #tpu.memory_space<hbm>>
    tpu.wait_indirect_dma semaphore(%arg26 : memref<!tpu.dma_semaphore, #tpu.memory_space<semaphore_mem>>) src(%dma_wait3A_84 : memref<100000x128xf32, #tpu.memory_space<hbm>>) dst(%arg12 : memref<128x128xf32, #tpu.memory_space<vmem>>)
    %dma_wait3A_85 = arith.constant 0 : i32
    %dma_wait3A_86 = arith.constant 0 : i32
    %dma_wait3A_87 = tpu.memref_slice %arg11[%dma_wait3A_85, %dma_wait3A_86] : memref<4x128xi32, #tpu.memory_space<vmem>> -> memref<1x128xi32, #tpu.memory_space<vmem>>
    %dma_wait3A_88 = tpu.memref_squeeze %dma_wait3A_87 : memref<1x128xi32, #tpu.memory_space<vmem>> -> memref<128xi32, #tpu.memory_space<vmem>>
    %dma_wait3A_89 = arith.constant 0 : i32
    %dma_wait3A_90 = arith.constant 0 : i32
    %dma_wait3A_91 = tpu.memref_slice %arg5[%dma_wait3A_89, %dma_wait3A_90] : memref<1000000x128xf32, #tpu.memory_space<hbm>> -> memref<1000000x128xf32, #tpu.memory_space<hbm>>
    tpu.wait_indirect_dma semaphore(%arg27 : memref<!tpu.dma_semaphore, #tpu.memory_space<semaphore_mem>>) src(%dma_wait3A_91 : memref<1000000x128xf32, #tpu.memory_space<hbm>>) dst(%arg13 : memref<128x128xf32, #tpu.memory_space<vmem>>)
    %dma_wait3A_92 = arith.constant 0 : i32
    %dma_wait3A_93 = arith.constant 0 : i32
    %dma_wait3A_94 = tpu.memref_slice %arg10[%dma_wait3A_92, %dma_wait3A_93] : memref<4x128xi32, #tpu.memory_space<vmem>> -> memref<1x128xi32, #tpu.memory_space<vmem>>
    %dma_wait3A_95 = tpu.memref_squeeze %dma_wait3A_94 : memref<1x128xi32, #tpu.memory_space<vmem>> -> memref<128xi32, #tpu.memory_space<vmem>>
    %dma_wait3A_96 = arith.constant 0 : i32
    %dma_wait3A_97 = tpu.memref_slice %arg6[%dma_wait3A_96] : memref<100000xf32, #tpu.memory_space<hbm>> -> memref<100000xf32, #tpu.memory_space<hbm>>
    tpu.wait_indirect_dma semaphore(%arg28 : memref<!tpu.dma_semaphore, #tpu.memory_space<semaphore_mem>>) src(%dma_wait3A_97 : memref<100000xf32, #tpu.memory_space<hbm>>) dst(%arg18 : memref<128xf32, #tpu.memory_space<vmem>>)
    %dma_wait3A_98 = arith.constant 0 : i32
    %dma_wait3A_99 = arith.constant 0 : i32
    %dma_wait3A_100 = tpu.memref_slice %arg11[%dma_wait3A_98, %dma_wait3A_99] : memref<4x128xi32, #tpu.memory_space<vmem>> -> memref<1x128xi32, #tpu.memory_space<vmem>>
    %dma_wait3A_101 = tpu.memref_squeeze %dma_wait3A_100 : memref<1x128xi32, #tpu.memory_space<vmem>> -> memref<128xi32, #tpu.memory_space<vmem>>
    %dma_wait3A_102 = arith.constant 0 : i32
    %dma_wait3A_103 = tpu.memref_slice %arg7[%dma_wait3A_102] : memref<1000000xf32, #tpu.memory_space<hbm>> -> memref<1000000xf32, #tpu.memory_space<hbm>>
    tpu.wait_indirect_dma semaphore(%arg29 : memref<!tpu.dma_semaphore, #tpu.memory_space<semaphore_mem>>) src(%dma_wait3A_103 : memref<1000000xf32, #tpu.memory_space<hbm>>) dst(%arg19 : memref<128xf32, #tpu.memory_space<vmem>>)
    %scan3A = arith.constant 0 : i32
    %scan3A_104 = arith.constant 0 : i32
    %scan3A_105 = arith.constant 8 : i32
    %scan3A_106 = arith.addi %scan3A_104, %scan3A_105 : i32
    %scan3A_107 = arith.constant 1 : i32
    scf.for %scan3A_233 = %scan3A_104 to %scan3A_106 step %scan3A_107  : i32 {
      %mul3A_234 = arith.constant 16 : i32
      %mul3A_235 = arith.muli %scan3A_233, %mul3A_234 : i32
      %broadcast_in_dim3A = arith.constant 0.000000e+00 : f32
      %broadcast_in_dim3A_236 = vector.broadcast %broadcast_in_dim3A : f32 to vector<16xf32>
      %parallel_loop3A = arith.constant 0 : i32
      %parallel_loop3A_237 = arith.constant 16 : i32
      %parallel_loop3A_238 = arith.constant 1 : i32
      %parallel_loop3A_239 = scf.for %parallel_loop3A_262 = %parallel_loop3A to %parallel_loop3A_237 step %parallel_loop3A_238 iter_args(%parallel_loop3A_263 = %broadcast_in_dim3A_236) -> (vector<16xf32>)  : i32 {
        %parallel_loop3A_264 = arith.addi %mul3A_235, %parallel_loop3A_262 : i32
        %parallel_loop3A_265 = arith.index_cast %parallel_loop3A_264 : i32 to index
        %parallel_loop3A_266 = arith.constant 0 : index
        %parallel_loop3A_267 = tpu.vector_load %arg12[%parallel_loop3A_265, %parallel_loop3A_266] {strides = array<i32>} : memref<128x128xf32, #tpu.memory_space<vmem>>, vector<16xf32>,
        %parallel_loop3A_268 = arith.index_cast %parallel_loop3A_264 : i32 to index
        %parallel_loop3A_269 = arith.constant 0 : index
        %parallel_loop3A_270 = tpu.vector_load %arg13[%parallel_loop3A_268, %parallel_loop3A_269] {strides = array<i32>} : memref<128x128xf32, #tpu.memory_space<vmem>>, vector<16xf32>,
        %parallel_loop3A_271 = arith.mulf %parallel_loop3A_267, %parallel_loop3A_270 : vector<16xf32>
        %parallel_loop3A_272 = arith.index_cast %parallel_loop3A_264 : i32 to index
        %parallel_loop3A_273 = arith.constant 16 : index
        %parallel_loop3A_274 = tpu.vector_load %arg12[%parallel_loop3A_272, %parallel_loop3A_273] {strides = array<i32>} : memref<128x128xf32, #tpu.memory_space<vmem>>, vector<16xf32>,
        %parallel_loop3A_275 = arith.index_cast %parallel_loop3A_264 : i32 to index
        %parallel_loop3A_276 = arith.constant 16 : index
        %parallel_loop3A_277 = tpu.vector_load %arg13[%parallel_loop3A_275, %parallel_loop3A_276] {strides = array<i32>} : memref<128x128xf32, #tpu.memory_space<vmem>>, vector<16xf32>,
        %parallel_loop3A_278 = arith.mulf %parallel_loop3A_274, %parallel_loop3A_277 : vector<16xf32>
        %parallel_loop3A_279 = arith.addf %parallel_loop3A_271, %parallel_loop3A_278 : vector<16xf32>
        %parallel_loop3A_280 = arith.index_cast %parallel_loop3A_264 : i32 to index
        %parallel_loop3A_281 = arith.constant 32 : index
        %parallel_loop3A_282 = tpu.vector_load %arg12[%parallel_loop3A_280, %parallel_loop3A_281] {strides = array<i32>} : memref<128x128xf32, #tpu.memory_space<vmem>>, vector<16xf32>,
        %parallel_loop3A_283 = arith.index_cast %parallel_loop3A_264 : i32 to index
        %parallel_loop3A_284 = arith.constant 32 : index
        %parallel_loop3A_285 = tpu.vector_load %arg13[%parallel_loop3A_283, %parallel_loop3A_284] {strides = array<i32>} : memref<128x128xf32, #tpu.memory_space<vmem>>, vector<16xf32>,
        %parallel_loop3A_286 = arith.mulf %parallel_loop3A_282, %parallel_loop3A_285 : vector<16xf32>
        %parallel_loop3A_287 = arith.addf %parallel_loop3A_279, %parallel_loop3A_286 : vector<16xf32>
        %parallel_loop3A_288 = arith.index_cast %parallel_loop3A_264 : i32 to index
        %parallel_loop3A_289 = arith.constant 48 : index
        %parallel_loop3A_290 = tpu.vector_load %arg12[%parallel_loop3A_288, %parallel_loop3A_289] {strides = array<i32>} : memref<128x128xf32, #tpu.memory_space<vmem>>, vector<16xf32>,
        %parallel_loop3A_291 = arith.index_cast %parallel_loop3A_264 : i32 to index
        %parallel_loop3A_292 = arith.constant 48 : index
        %parallel_loop3A_293 = tpu.vector_load %arg13[%parallel_loop3A_291, %parallel_loop3A_292] {strides = array<i32>} : memref<128x128xf32, #tpu.memory_space<vmem>>, vector<16xf32>,
        %parallel_loop3A_294 = arith.mulf %parallel_loop3A_290, %parallel_loop3A_293 : vector<16xf32>
        %parallel_loop3A_295 = arith.addf %parallel_loop3A_287, %parallel_loop3A_294 : vector<16xf32>
        %parallel_loop3A_296 = arith.index_cast %parallel_loop3A_264 : i32 to index
        %parallel_loop3A_297 = arith.constant 64 : index
        %parallel_loop3A_298 = tpu.vector_load %arg12[%parallel_loop3A_296, %parallel_loop3A_297] {strides = array<i32>} : memref<128x128xf32, #tpu.memory_space<vmem>>, vector<16xf32>,
        %parallel_loop3A_299 = arith.index_cast %parallel_loop3A_264 : i32 to index
        %parallel_loop3A_300 = arith.constant 64 : index
        %parallel_loop3A_301 = tpu.vector_load %arg13[%parallel_loop3A_299, %parallel_loop3A_300] {strides = array<i32>} : memref<128x128xf32, #tpu.memory_space<vmem>>, vector<16xf32>,
        %parallel_loop3A_302 = arith.mulf %parallel_loop3A_298, %parallel_loop3A_301 : vector<16xf32>
        %parallel_loop3A_303 = arith.addf %parallel_loop3A_295, %parallel_loop3A_302 : vector<16xf32>
        %parallel_loop3A_304 = arith.index_cast %parallel_loop3A_264 : i32 to index
        %parallel_loop3A_305 = arith.constant 80 : index
        %parallel_loop3A_306 = tpu.vector_load %arg12[%parallel_loop3A_304, %parallel_loop3A_305] {strides = array<i32>} : memref<128x128xf32, #tpu.memory_space<vmem>>, vector<16xf32>,
        %parallel_loop3A_307 = arith.index_cast %parallel_loop3A_264 : i32 to index
        %parallel_loop3A_308 = arith.constant 80 : index
        %parallel_loop3A_309 = tpu.vector_load %arg13[%parallel_loop3A_307, %parallel_loop3A_308] {strides = array<i32>} : memref<128x128xf32, #tpu.memory_space<vmem>>, vector<16xf32>,
        %parallel_loop3A_310 = arith.mulf %parallel_loop3A_306, %parallel_loop3A_309 : vector<16xf32>
        %parallel_loop3A_311 = arith.addf %parallel_loop3A_303, %parallel_loop3A_310 : vector<16xf32>
        %parallel_loop3A_312 = arith.index_cast %parallel_loop3A_264 : i32 to index
        %parallel_loop3A_313 = arith.constant 96 : index
        %parallel_loop3A_314 = tpu.vector_load %arg12[%parallel_loop3A_312, %parallel_loop3A_313] {strides = array<i32>} : memref<128x128xf32, #tpu.memory_space<vmem>>, vector<16xf32>,
        %parallel_loop3A_315 = arith.index_cast %parallel_loop3A_264 : i32 to index
        %parallel_loop3A_316 = arith.constant 96 : index
        %parallel_loop3A_317 = tpu.vector_load %arg13[%parallel_loop3A_315, %parallel_loop3A_316] {strides = array<i32>} : memref<128x128xf32, #tpu.memory_space<vmem>>, vector<16xf32>,
        %parallel_loop3A_318 = arith.mulf %parallel_loop3A_314, %parallel_loop3A_317 : vector<16xf32>
        %parallel_loop3A_319 = arith.addf %parallel_loop3A_311, %parallel_loop3A_318 : vector<16xf32>
        %parallel_loop3A_320 = arith.index_cast %parallel_loop3A_264 : i32 to index
        %parallel_loop3A_321 = arith.constant 112 : index
        %parallel_loop3A_322 = tpu.vector_load %arg12[%parallel_loop3A_320, %parallel_loop3A_321] {strides = array<i32>} : memref<128x128xf32, #tpu.memory_space<vmem>>, vector<16xf32>,
        %parallel_loop3A_323 = arith.index_cast %parallel_loop3A_264 : i32 to index
        %parallel_loop3A_324 = arith.constant 112 : index
        %parallel_loop3A_325 = tpu.vector_load %arg13[%parallel_loop3A_323, %parallel_loop3A_324] {strides = array<i32>} : memref<128x128xf32, #tpu.memory_space<vmem>>, vector<16xf32>,
        %parallel_loop3A_326 = arith.mulf %parallel_loop3A_322, %parallel_loop3A_325 : vector<16xf32>
        %parallel_loop3A_327 = arith.addf %parallel_loop3A_319, %parallel_loop3A_326 : vector<16xf32>
        %parallel_loop3A_328 = vector.broadcast %parallel_loop3A_262 : i32 to vector<16xi32>
        %parallel_loop3A_329 = arith.cmpi eq, %iota3A, %parallel_loop3A_328 : vector<16xi32>
        %parallel_loop3A_330 = arith.constant true
        %parallel_loop3A_331 = vector.broadcast %parallel_loop3A_330 : i1 to vector<16xi1>
        %parallel_loop3A_332 = tpu.scan <sum>, %parallel_loop3A_327 masked %parallel_loop3A_331 : vector<16xf32>, vector<16xi1> -> vector<16xf32>
        %parallel_loop3A_333 = vector.extract %parallel_loop3A_332[15] : f32 from vector<16xf32>
        %parallel_loop3A_334 = vector.broadcast %parallel_loop3A_333 : f32 to vector<16xf32>
        %parallel_loop3A_335 = arith.select %parallel_loop3A_329, %parallel_loop3A_334, %parallel_loop3A_263 : vector<16xi1>, vector<16xf32>
        scf.yield %parallel_loop3A_335 : vector<16xf32>
      } {sc.loop_unroll_factor = 4 : i64, sc.parallel_access}
      %multiple_of3A_240 = tpu.assume_multiple %mul3A_235, 16 : i32
      %get3A_241 = arith.index_cast %multiple_of3A_240 : i32 to index
      %get3A_242 = tpu.vector_load %arg18[%get3A_241] {strides = array<i32>} : memref<128xf32, #tpu.memory_space<vmem>>, vector<16xf32>,
      %add3A_243 = arith.addf %parallel_loop3A_239, %get3A_242 : vector<16xf32>
      %get3A_244 = arith.index_cast %multiple_of3A_240 : i32 to index
      %get3A_245 = tpu.vector_load %arg19[%get3A_244] {strides = array<i32>} : memref<128xf32, #tpu.memory_space<vmem>>, vector<16xf32>,
      %add3A_246 = arith.addf %add3A_243, %get3A_245 : vector<16xf32>
      %add3A_247 = arith.addf %add3A_246, %get3A_1 : vector<16xf32>
      %neg3A = arith.constant 0.000000e+00 : f32
      %neg3A_248 = vector.broadcast %neg3A : f32 to vector<16xf32>
      %neg3A_249 = arith.subf %neg3A_248, %add3A_247 : vector<16xf32>
      %exp3A = math.exp %neg3A_249 : vector<16xf32>
      %add3A_250 = arith.constant 1.000000e+00 : f32
      %add3A_251 = vector.broadcast %add3A_250 : f32 to vector<16xf32>
      %add3A_252 = arith.addf %add3A_251, %exp3A : vector<16xf32>
      %div3A = arith.constant 4.000000e+00 : f32
      %div3A_253 = vector.broadcast %div3A : f32 to vector<16xf32>
      %div3A_254 = arith.divf %div3A_253, %add3A_252 : vector<16xf32>
      %add3A_255 = arith.constant 1.000000e+00 : f32
      %add3A_256 = vector.broadcast %add3A_255 : f32 to vector<16xf32>
      %add3A_257 = arith.addf %add3A_256, %div3A_254 : vector<16xf32>
      %add3A_258 = arith.constant 0 : i32
      %add3A_259 = arith.addi %add3A_258, %mul3A_235 : i32
      %multiple_of3A_260 = tpu.assume_multiple %add3A_259, 16 : i32
      %swap3A = arith.index_cast %multiple_of3A_260 : i32 to index
      %swap3A_261 = tpu.vector_load %arg24[%swap3A] {strides = array<i32>} : memref<512xf32, #tpu.memory_space<vmem>>, vector<16xf32>,
      tpu.vector_store %arg24[%swap3A], %add3A_257 {strides = array<i32>} : memref<512xf32, #tpu.memory_space<vmem>>, vector<16xf32>,
    }
    %scan3A_108 = arith.constant 8 : i32
    %dma_start3A_109 = arith.constant 3 : i32
    %dma_start3A_110 = arith.constant 0 : i32
    %dma_start3A_111 = tpu.memref_slice %arg10[%dma_start3A_109, %dma_start3A_110] : memref<4x128xi32, #tpu.memory_space<vmem>> -> memref<1x128xi32, #tpu.memory_space<vmem>>
    %dma_start3A_112 = tpu.memref_squeeze %dma_start3A_111 : memref<1x128xi32, #tpu.memory_space<vmem>> -> memref<128xi32, #tpu.memory_space<vmem>>
    %dma_start3A_113 = arith.constant 0 : i32
    %dma_start3A_114 = arith.constant 0 : i32
    %dma_start3A_115 = tpu.memref_slice %arg4[%dma_start3A_113, %dma_start3A_114] : memref<100000x128xf32, #tpu.memory_space<hbm>> -> memref<100000x128xf32, #tpu.memory_space<hbm>>
    tpu.enqueue_indirect_dma source(%dma_start3A_115 : memref<100000x128xf32, #tpu.memory_space<hbm>>) target(%arg12 : memref<128x128xf32, #tpu.memory_space<vmem>>) offsets(%dma_start3A_112 : memref<128xi32, #tpu.memory_space<vmem>>) semaphore(%arg26 : memref<!tpu.dma_semaphore, #tpu.memory_space<semaphore_mem>>)
    %dma_start3A_116 = arith.constant 3 : i32
    %dma_start3A_117 = arith.constant 0 : i32
    %dma_start3A_118 = tpu.memref_slice %arg11[%dma_start3A_116, %dma_start3A_117] : memref<4x128xi32, #tpu.memory_space<vmem>> -> memref<1x128xi32, #tpu.memory_space<vmem>>
    %dma_start3A_119 = tpu.memref_squeeze %dma_start3A_118 : memref<1x128xi32, #tpu.memory_space<vmem>> -> memref<128xi32, #tpu.memory_space<vmem>>
    %dma_start3A_120 = arith.constant 0 : i32
    %dma_start3A_121 = arith.constant 0 : i32
    %dma_start3A_122 = tpu.memref_slice %arg5[%dma_start3A_120, %dma_start3A_121] : memref<1000000x128xf32, #tpu.memory_space<hbm>> -> memref<1000000x128xf32, #tpu.memory_space<hbm>>
    tpu.enqueue_indirect_dma source(%dma_start3A_122 : memref<1000000x128xf32, #tpu.memory_space<hbm>>) target(%arg13 : memref<128x128xf32, #tpu.memory_space<vmem>>) offsets(%dma_start3A_119 : memref<128xi32, #tpu.memory_space<vmem>>) semaphore(%arg27 : memref<!tpu.dma_semaphore, #tpu.memory_space<semaphore_mem>>)
    %dma_start3A_123 = arith.constant 3 : i32
    %dma_start3A_124 = arith.constant 0 : i32
    %dma_start3A_125 = tpu.memref_slice %arg10[%dma_start3A_123, %dma_start3A_124] : memref<4x128xi32, #tpu.memory_space<vmem>> -> memref<1x128xi32, #tpu.memory_space<vmem>>
    %dma_start3A_126 = tpu.memref_squeeze %dma_start3A_125 : memref<1x128xi32, #tpu.memory_space<vmem>> -> memref<128xi32, #tpu.memory_space<vmem>>
    %dma_start3A_127 = arith.constant 0 : i32
    %dma_start3A_128 = tpu.memref_slice %arg6[%dma_start3A_127] : memref<100000xf32, #tpu.memory_space<hbm>> -> memref<100000xf32, #tpu.memory_space<hbm>>
    tpu.enqueue_indirect_dma source(%dma_start3A_128 : memref<100000xf32, #tpu.memory_space<hbm>>) target(%arg18 : memref<128xf32, #tpu.memory_space<vmem>>) offsets(%dma_start3A_126 : memref<128xi32, #tpu.memory_space<vmem>>) semaphore(%arg28 : memref<!tpu.dma_semaphore, #tpu.memory_space<semaphore_mem>>)
    %dma_start3A_129 = arith.constant 3 : i32
    %dma_start3A_130 = arith.constant 0 : i32
    %dma_start3A_131 = tpu.memref_slice %arg11[%dma_start3A_129, %dma_start3A_130] : memref<4x128xi32, #tpu.memory_space<vmem>> -> memref<1x128xi32, #tpu.memory_space<vmem>>
    %dma_start3A_132 = tpu.memref_squeeze %dma_start3A_131 : memref<1x128xi32, #tpu.memory_space<vmem>> -> memref<128xi32, #tpu.memory_space<vmem>>
    %dma_start3A_133 = arith.constant 0 : i32
    %dma_start3A_134 = tpu.memref_slice %arg7[%dma_start3A_133] : memref<1000000xf32, #tpu.memory_space<hbm>> -> memref<1000000xf32, #tpu.memory_space<hbm>>
    tpu.enqueue_indirect_dma source(%dma_start3A_134 : memref<1000000xf32, #tpu.memory_space<hbm>>) target(%arg19 : memref<128xf32, #tpu.memory_space<vmem>>) offsets(%dma_start3A_132 : memref<128xi32, #tpu.memory_space<vmem>>) semaphore(%arg29 : memref<!tpu.dma_semaphore, #tpu.memory_space<semaphore_mem>>)
    %dma_wait3A_135 = arith.constant 1 : i32
    %dma_wait3A_136 = arith.constant 0 : i32
    %dma_wait3A_137 = tpu.memref_slice %arg10[%dma_wait3A_135, %dma_wait3A_136] : memref<4x128xi32, #tpu.memory_space<vmem>> -> memref<1x128xi32, #tpu.memory_space<vmem>>
    %dma_wait3A_138 = tpu.memref_squeeze %dma_wait3A_137 : memref<1x128xi32, #tpu.memory_space<vmem>> -> memref<128xi32, #tpu.memory_space<vmem>>
    %dma_wait3A_139 = arith.constant 0 : i32
    %dma_wait3A_140 = arith.constant 0 : i32
    %dma_wait3A_141 = tpu.memref_slice %arg4[%dma_wait3A_139, %dma_wait3A_140] : memref<100000x128xf32, #tpu.memory_space<hbm>> -> memref<100000x128xf32, #tpu.memory_space<hbm>>
    tpu.wait_indirect_dma semaphore(%arg30 : memref<!tpu.dma_semaphore, #tpu.memory_space<semaphore_mem>>) src(%dma_wait3A_141 : memref<100000x128xf32, #tpu.memory_space<hbm>>) dst(%arg14 : memref<128x128xf32, #tpu.memory_space<vmem>>)
    %dma_wait3A_142 = arith.constant 1 : i32
    %dma_wait3A_143 = arith.constant 0 : i32
    %dma_wait3A_144 = tpu.memref_slice %arg11[%dma_wait3A_142, %dma_wait3A_143] : memref<4x128xi32, #tpu.memory_space<vmem>> -> memref<1x128xi32, #tpu.memory_space<vmem>>
    %dma_wait3A_145 = tpu.memref_squeeze %dma_wait3A_144 : memref<1x128xi32, #tpu.memory_space<vmem>> -> memref<128xi32, #tpu.memory_space<vmem>>
    %dma_wait3A_146 = arith.constant 0 : i32
    %dma_wait3A_147 = arith.constant 0 : i32
    %dma_wait3A_148 = tpu.memref_slice %arg5[%dma_wait3A_146, %dma_wait3A_147] : memref<1000000x128xf32, #tpu.memory_space<hbm>> -> memref<1000000x128xf32, #tpu.memory_space<hbm>>
    tpu.wait_indirect_dma semaphore(%arg31 : memref<!tpu.dma_semaphore, #tpu.memory_space<semaphore_mem>>) src(%dma_wait3A_148 : memref<1000000x128xf32, #tpu.memory_space<hbm>>) dst(%arg15 : memref<128x128xf32, #tpu.memory_space<vmem>>)
    %dma_wait3A_149 = arith.constant 1 : i32
    %dma_wait3A_150 = arith.constant 0 : i32
    %dma_wait3A_151 = tpu.memref_slice %arg10[%dma_wait3A_149, %dma_wait3A_150] : memref<4x128xi32, #tpu.memory_space<vmem>> -> memref<1x128xi32, #tpu.memory_space<vmem>>
    %dma_wait3A_152 = tpu.memref_squeeze %dma_wait3A_151 : memref<1x128xi32, #tpu.memory_space<vmem>> -> memref<128xi32, #tpu.memory_space<vmem>>
    %dma_wait3A_153 = arith.constant 0 : i32
    %dma_wait3A_154 = tpu.memref_slice %arg6[%dma_wait3A_153] : memref<100000xf32, #tpu.memory_space<hbm>> -> memref<100000xf32, #tpu.memory_space<hbm>>
    tpu.wait_indirect_dma semaphore(%arg32 : memref<!tpu.dma_semaphore, #tpu.memory_space<semaphore_mem>>) src(%dma_wait3A_154 : memref<100000xf32, #tpu.memory_space<hbm>>) dst(%arg20 : memref<128xf32, #tpu.memory_space<vmem>>)
    %dma_wait3A_155 = arith.constant 1 : i32
    %dma_wait3A_156 = arith.constant 0 : i32
    %dma_wait3A_157 = tpu.memref_slice %arg11[%dma_wait3A_155, %dma_wait3A_156] : memref<4x128xi32, #tpu.memory_space<vmem>> -> memref<1x128xi32, #tpu.memory_space<vmem>>
    %dma_wait3A_158 = tpu.memref_squeeze %dma_wait3A_157 : memref<1x128xi32, #tpu.memory_space<vmem>> -> memref<128xi32, #tpu.memory_space<vmem>>
    %dma_wait3A_159 = arith.constant 0 : i32
    %dma_wait3A_160 = tpu.memref_slice %arg7[%dma_wait3A_159] : memref<1000000xf32, #tpu.memory_space<hbm>> -> memref<1000000xf32, #tpu.memory_space<hbm>>
    tpu.wait_indirect_dma semaphore(%arg33 : memref<!tpu.dma_semaphore, #tpu.memory_space<semaphore_mem>>) src(%dma_wait3A_160 : memref<1000000xf32, #tpu.memory_space<hbm>>) dst(%arg21 : memref<128xf32, #tpu.memory_space<vmem>>)
    %scan3A_161 = arith.constant 0 : i32
    %scan3A_162 = arith.constant 0 : i32
    %scan3A_163 = arith.constant 8 : i32
    %scan3A_164 = arith.addi %scan3A_162, %scan3A_163 : i32
    %scan3A_165 = arith.constant 1 : i32
    scf.for %scan3A_233 = %scan3A_162 to %scan3A_164 step %scan3A_165  : i32 {
      %mul3A_234 = arith.constant 16 : i32
      %mul3A_235 = arith.muli %scan3A_233, %mul3A_234 : i32
      %broadcast_in_dim3A = arith.constant 0.000000e+00 : f32
      %broadcast_in_dim3A_236 = vector.broadcast %broadcast_in_dim3A : f32 to vector<16xf32>
      %parallel_loop3A = arith.constant 0 : i32
      %parallel_loop3A_237 = arith.constant 16 : i32
      %parallel_loop3A_238 = arith.constant 1 : i32
      %parallel_loop3A_239 = scf.for %parallel_loop3A_262 = %parallel_loop3A to %parallel_loop3A_237 step %parallel_loop3A_238 iter_args(%parallel_loop3A_263 = %broadcast_in_dim3A_236) -> (vector<16xf32>)  : i32 {
        %parallel_loop3A_264 = arith.addi %mul3A_235, %parallel_loop3A_262 : i32
        %parallel_loop3A_265 = arith.index_cast %parallel_loop3A_264 : i32 to index
        %parallel_loop3A_266 = arith.constant 0 : index
        %parallel_loop3A_267 = tpu.vector_load %arg14[%parallel_loop3A_265, %parallel_loop3A_266] {strides = array<i32>} : memref<128x128xf32, #tpu.memory_space<vmem>>, vector<16xf32>,
        %parallel_loop3A_268 = arith.index_cast %parallel_loop3A_264 : i32 to index
        %parallel_loop3A_269 = arith.constant 0 : index
        %parallel_loop3A_270 = tpu.vector_load %arg15[%parallel_loop3A_268, %parallel_loop3A_269] {strides = array<i32>} : memref<128x128xf32, #tpu.memory_space<vmem>>, vector<16xf32>,
        %parallel_loop3A_271 = arith.mulf %parallel_loop3A_267, %parallel_loop3A_270 : vector<16xf32>
        %parallel_loop3A_272 = arith.index_cast %parallel_loop3A_264 : i32 to index
        %parallel_loop3A_273 = arith.constant 16 : index
        %parallel_loop3A_274 = tpu.vector_load %arg14[%parallel_loop3A_272, %parallel_loop3A_273] {strides = array<i32>} : memref<128x128xf32, #tpu.memory_space<vmem>>, vector<16xf32>,
        %parallel_loop3A_275 = arith.index_cast %parallel_loop3A_264 : i32 to index
        %parallel_loop3A_276 = arith.constant 16 : index
        %parallel_loop3A_277 = tpu.vector_load %arg15[%parallel_loop3A_275, %parallel_loop3A_276] {strides = array<i32>} : memref<128x128xf32, #tpu.memory_space<vmem>>, vector<16xf32>,
        %parallel_loop3A_278 = arith.mulf %parallel_loop3A_274, %parallel_loop3A_277 : vector<16xf32>
        %parallel_loop3A_279 = arith.addf %parallel_loop3A_271, %parallel_loop3A_278 : vector<16xf32>
        %parallel_loop3A_280 = arith.index_cast %parallel_loop3A_264 : i32 to index
        %parallel_loop3A_281 = arith.constant 32 : index
        %parallel_loop3A_282 = tpu.vector_load %arg14[%parallel_loop3A_280, %parallel_loop3A_281] {strides = array<i32>} : memref<128x128xf32, #tpu.memory_space<vmem>>, vector<16xf32>,
        %parallel_loop3A_283 = arith.index_cast %parallel_loop3A_264 : i32 to index
        %parallel_loop3A_284 = arith.constant 32 : index
        %parallel_loop3A_285 = tpu.vector_load %arg15[%parallel_loop3A_283, %parallel_loop3A_284] {strides = array<i32>} : memref<128x128xf32, #tpu.memory_space<vmem>>, vector<16xf32>,
        %parallel_loop3A_286 = arith.mulf %parallel_loop3A_282, %parallel_loop3A_285 : vector<16xf32>
        %parallel_loop3A_287 = arith.addf %parallel_loop3A_279, %parallel_loop3A_286 : vector<16xf32>
        %parallel_loop3A_288 = arith.index_cast %parallel_loop3A_264 : i32 to index
        %parallel_loop3A_289 = arith.constant 48 : index
        %parallel_loop3A_290 = tpu.vector_load %arg14[%parallel_loop3A_288, %parallel_loop3A_289] {strides = array<i32>} : memref<128x128xf32, #tpu.memory_space<vmem>>, vector<16xf32>,
        %parallel_loop3A_291 = arith.index_cast %parallel_loop3A_264 : i32 to index
        %parallel_loop3A_292 = arith.constant 48 : index
        %parallel_loop3A_293 = tpu.vector_load %arg15[%parallel_loop3A_291, %parallel_loop3A_292] {strides = array<i32>} : memref<128x128xf32, #tpu.memory_space<vmem>>, vector<16xf32>,
        %parallel_loop3A_294 = arith.mulf %parallel_loop3A_290, %parallel_loop3A_293 : vector<16xf32>
        %parallel_loop3A_295 = arith.addf %parallel_loop3A_287, %parallel_loop3A_294 : vector<16xf32>
        %parallel_loop3A_296 = arith.index_cast %parallel_loop3A_264 : i32 to index
        %parallel_loop3A_297 = arith.constant 64 : index
        %parallel_loop3A_298 = tpu.vector_load %arg14[%parallel_loop3A_296, %parallel_loop3A_297] {strides = array<i32>} : memref<128x128xf32, #tpu.memory_space<vmem>>, vector<16xf32>,
        %parallel_loop3A_299 = arith.index_cast %parallel_loop3A_264 : i32 to index
        %parallel_loop3A_300 = arith.constant 64 : index
        %parallel_loop3A_301 = tpu.vector_load %arg15[%parallel_loop3A_299, %parallel_loop3A_300] {strides = array<i32>} : memref<128x128xf32, #tpu.memory_space<vmem>>, vector<16xf32>,
        %parallel_loop3A_302 = arith.mulf %parallel_loop3A_298, %parallel_loop3A_301 : vector<16xf32>
        %parallel_loop3A_303 = arith.addf %parallel_loop3A_295, %parallel_loop3A_302 : vector<16xf32>
        %parallel_loop3A_304 = arith.index_cast %parallel_loop3A_264 : i32 to index
        %parallel_loop3A_305 = arith.constant 80 : index
        %parallel_loop3A_306 = tpu.vector_load %arg14[%parallel_loop3A_304, %parallel_loop3A_305] {strides = array<i32>} : memref<128x128xf32, #tpu.memory_space<vmem>>, vector<16xf32>,
        %parallel_loop3A_307 = arith.index_cast %parallel_loop3A_264 : i32 to index
        %parallel_loop3A_308 = arith.constant 80 : index
        %parallel_loop3A_309 = tpu.vector_load %arg15[%parallel_loop3A_307, %parallel_loop3A_308] {strides = array<i32>} : memref<128x128xf32, #tpu.memory_space<vmem>>, vector<16xf32>,
        %parallel_loop3A_310 = arith.mulf %parallel_loop3A_306, %parallel_loop3A_309 : vector<16xf32>
        %parallel_loop3A_311 = arith.addf %parallel_loop3A_303, %parallel_loop3A_310 : vector<16xf32>
        %parallel_loop3A_312 = arith.index_cast %parallel_loop3A_264 : i32 to index
        %parallel_loop3A_313 = arith.constant 96 : index
        %parallel_loop3A_314 = tpu.vector_load %arg14[%parallel_loop3A_312, %parallel_loop3A_313] {strides = array<i32>} : memref<128x128xf32, #tpu.memory_space<vmem>>, vector<16xf32>,
        %parallel_loop3A_315 = arith.index_cast %parallel_loop3A_264 : i32 to index
        %parallel_loop3A_316 = arith.constant 96 : index
        %parallel_loop3A_317 = tpu.vector_load %arg15[%parallel_loop3A_315, %parallel_loop3A_316] {strides = array<i32>} : memref<128x128xf32, #tpu.memory_space<vmem>>, vector<16xf32>,
        %parallel_loop3A_318 = arith.mulf %parallel_loop3A_314, %parallel_loop3A_317 : vector<16xf32>
        %parallel_loop3A_319 = arith.addf %parallel_loop3A_311, %parallel_loop3A_318 : vector<16xf32>
        %parallel_loop3A_320 = arith.index_cast %parallel_loop3A_264 : i32 to index
        %parallel_loop3A_321 = arith.constant 112 : index
        %parallel_loop3A_322 = tpu.vector_load %arg14[%parallel_loop3A_320, %parallel_loop3A_321] {strides = array<i32>} : memref<128x128xf32, #tpu.memory_space<vmem>>, vector<16xf32>,
        %parallel_loop3A_323 = arith.index_cast %parallel_loop3A_264 : i32 to index
        %parallel_loop3A_324 = arith.constant 112 : index
        %parallel_loop3A_325 = tpu.vector_load %arg15[%parallel_loop3A_323, %parallel_loop3A_324] {strides = array<i32>} : memref<128x128xf32, #tpu.memory_space<vmem>>, vector<16xf32>,
        %parallel_loop3A_326 = arith.mulf %parallel_loop3A_322, %parallel_loop3A_325 : vector<16xf32>
        %parallel_loop3A_327 = arith.addf %parallel_loop3A_319, %parallel_loop3A_326 : vector<16xf32>
        %parallel_loop3A_328 = vector.broadcast %parallel_loop3A_262 : i32 to vector<16xi32>
        %parallel_loop3A_329 = arith.cmpi eq, %iota3A, %parallel_loop3A_328 : vector<16xi32>
        %parallel_loop3A_330 = arith.constant true
        %parallel_loop3A_331 = vector.broadcast %parallel_loop3A_330 : i1 to vector<16xi1>
        %parallel_loop3A_332 = tpu.scan <sum>, %parallel_loop3A_327 masked %parallel_loop3A_331 : vector<16xf32>, vector<16xi1> -> vector<16xf32>
        %parallel_loop3A_333 = vector.extract %parallel_loop3A_332[15] : f32 from vector<16xf32>
        %parallel_loop3A_334 = vector.broadcast %parallel_loop3A_333 : f32 to vector<16xf32>
        %parallel_loop3A_335 = arith.select %parallel_loop3A_329, %parallel_loop3A_334, %parallel_loop3A_263 : vector<16xi1>, vector<16xf32>
        scf.yield %parallel_loop3A_335 : vector<16xf32>
      } {sc.loop_unroll_factor = 4 : i64, sc.parallel_access}
      %multiple_of3A_240 = tpu.assume_multiple %mul3A_235, 16 : i32
      %get3A_241 = arith.index_cast %multiple_of3A_240 : i32 to index
      %get3A_242 = tpu.vector_load %arg20[%get3A_241] {strides = array<i32>} : memref<128xf32, #tpu.memory_space<vmem>>, vector<16xf32>,
      %add3A_243 = arith.addf %parallel_loop3A_239, %get3A_242 : vector<16xf32>
      %get3A_244 = arith.index_cast %multiple_of3A_240 : i32 to index
      %get3A_245 = tpu.vector_load %arg21[%get3A_244] {strides = array<i32>} : memref<128xf32, #tpu.memory_space<vmem>>, vector<16xf32>,
      %add3A_246 = arith.addf %add3A_243, %get3A_245 : vector<16xf32>
      %add3A_247 = arith.addf %add3A_246, %get3A_1 : vector<16xf32>
      %neg3A = arith.constant 0.000000e+00 : f32
      %neg3A_248 = vector.broadcast %neg3A : f32 to vector<16xf32>
      %neg3A_249 = arith.subf %neg3A_248, %add3A_247 : vector<16xf32>
      %exp3A = math.exp %neg3A_249 : vector<16xf32>
      %add3A_250 = arith.constant 1.000000e+00 : f32
      %add3A_251 = vector.broadcast %add3A_250 : f32 to vector<16xf32>
      %add3A_252 = arith.addf %add3A_251, %exp3A : vector<16xf32>
      %div3A = arith.constant 4.000000e+00 : f32
      %div3A_253 = vector.broadcast %div3A : f32 to vector<16xf32>
      %div3A_254 = arith.divf %div3A_253, %add3A_252 : vector<16xf32>
      %add3A_255 = arith.constant 1.000000e+00 : f32
      %add3A_256 = vector.broadcast %add3A_255 : f32 to vector<16xf32>
      %add3A_257 = arith.addf %add3A_256, %div3A_254 : vector<16xf32>
      %add3A_258 = arith.constant 128 : i32
      %add3A_259 = arith.addi %add3A_258, %mul3A_235 : i32
      %multiple_of3A_260 = tpu.assume_multiple %add3A_259, 16 : i32
      %swap3A = arith.index_cast %multiple_of3A_260 : i32 to index
      %swap3A_261 = tpu.vector_load %arg24[%swap3A] {strides = array<i32>} : memref<512xf32, #tpu.memory_space<vmem>>, vector<16xf32>,
      tpu.vector_store %arg24[%swap3A], %add3A_257 {strides = array<i32>} : memref<512xf32, #tpu.memory_space<vmem>>, vector<16xf32>,
    }
    %scan3A_166 = arith.constant 8 : i32
    %dma_wait3A_167 = arith.constant 2 : i32
    %dma_wait3A_168 = arith.constant 0 : i32
    %dma_wait3A_169 = tpu.memref_slice %arg10[%dma_wait3A_167, %dma_wait3A_168] : memref<4x128xi32, #tpu.memory_space<vmem>> -> memref<1x128xi32, #tpu.memory_space<vmem>>
    %dma_wait3A_170 = tpu.memref_squeeze %dma_wait3A_169 : memref<1x128xi32, #tpu.memory_space<vmem>> -> memref<128xi32, #tpu.memory_space<vmem>>
    %dma_wait3A_171 = arith.constant 0 : i32
    %dma_wait3A_172 = arith.constant 0 : i32
    %dma_wait3A_173 = tpu.memref_slice %arg4[%dma_wait3A_171, %dma_wait3A_172] : memref<100000x128xf32, #tpu.memory_space<hbm>> -> memref<100000x128xf32, #tpu.memory_space<hbm>>
    tpu.wait_indirect_dma semaphore(%arg34 : memref<!tpu.dma_semaphore, #tpu.memory_space<semaphore_mem>>) src(%dma_wait3A_173 : memref<100000x128xf32, #tpu.memory_space<hbm>>) dst(%arg16 : memref<128x128xf32, #tpu.memory_space<vmem>>)
    %dma_wait3A_174 = arith.constant 2 : i32
    %dma_wait3A_175 = arith.constant 0 : i32
    %dma_wait3A_176 = tpu.memref_slice %arg11[%dma_wait3A_174, %dma_wait3A_175] : memref<4x128xi32, #tpu.memory_space<vmem>> -> memref<1x128xi32, #tpu.memory_space<vmem>>
    %dma_wait3A_177 = tpu.memref_squeeze %dma_wait3A_176 : memref<1x128xi32, #tpu.memory_space<vmem>> -> memref<128xi32, #tpu.memory_space<vmem>>
    %dma_wait3A_178 = arith.constant 0 : i32
    %dma_wait3A_179 = arith.constant 0 : i32
    %dma_wait3A_180 = tpu.memref_slice %arg5[%dma_wait3A_178, %dma_wait3A_179] : memref<1000000x128xf32, #tpu.memory_space<hbm>> -> memref<1000000x128xf32, #tpu.memory_space<hbm>>
    tpu.wait_indirect_dma semaphore(%arg35 : memref<!tpu.dma_semaphore, #tpu.memory_space<semaphore_mem>>) src(%dma_wait3A_180 : memref<1000000x128xf32, #tpu.memory_space<hbm>>) dst(%arg17 : memref<128x128xf32, #tpu.memory_space<vmem>>)
    %dma_wait3A_181 = arith.constant 2 : i32
    %dma_wait3A_182 = arith.constant 0 : i32
    %dma_wait3A_183 = tpu.memref_slice %arg10[%dma_wait3A_181, %dma_wait3A_182] : memref<4x128xi32, #tpu.memory_space<vmem>> -> memref<1x128xi32, #tpu.memory_space<vmem>>
    %dma_wait3A_184 = tpu.memref_squeeze %dma_wait3A_183 : memref<1x128xi32, #tpu.memory_space<vmem>> -> memref<128xi32, #tpu.memory_space<vmem>>
    %dma_wait3A_185 = arith.constant 0 : i32
    %dma_wait3A_186 = tpu.memref_slice %arg6[%dma_wait3A_185] : memref<100000xf32, #tpu.memory_space<hbm>> -> memref<100000xf32, #tpu.memory_space<hbm>>
    tpu.wait_indirect_dma semaphore(%arg36 : memref<!tpu.dma_semaphore, #tpu.memory_space<semaphore_mem>>) src(%dma_wait3A_186 : memref<100000xf32, #tpu.memory_space<hbm>>) dst(%arg22 : memref<128xf32, #tpu.memory_space<vmem>>)
    %dma_wait3A_187 = arith.constant 2 : i32
    %dma_wait3A_188 = arith.constant 0 : i32
    %dma_wait3A_189 = tpu.memref_slice %arg11[%dma_wait3A_187, %dma_wait3A_188] : memref<4x128xi32, #tpu.memory_space<vmem>> -> memref<1x128xi32, #tpu.memory_space<vmem>>
    %dma_wait3A_190 = tpu.memref_squeeze %dma_wait3A_189 : memref<1x128xi32, #tpu.memory_space<vmem>> -> memref<128xi32, #tpu.memory_space<vmem>>
    %dma_wait3A_191 = arith.constant 0 : i32
    %dma_wait3A_192 = tpu.memref_slice %arg7[%dma_wait3A_191] : memref<1000000xf32, #tpu.memory_space<hbm>> -> memref<1000000xf32, #tpu.memory_space<hbm>>
    tpu.wait_indirect_dma semaphore(%arg37 : memref<!tpu.dma_semaphore, #tpu.memory_space<semaphore_mem>>) src(%dma_wait3A_192 : memref<1000000xf32, #tpu.memory_space<hbm>>) dst(%arg23 : memref<128xf32, #tpu.memory_space<vmem>>)
    %scan3A_193 = arith.constant 0 : i32
    %scan3A_194 = arith.constant 0 : i32
    %scan3A_195 = arith.constant 8 : i32
    %scan3A_196 = arith.addi %scan3A_194, %scan3A_195 : i32
    %scan3A_197 = arith.constant 1 : i32
    scf.for %scan3A_233 = %scan3A_194 to %scan3A_196 step %scan3A_197  : i32 {
      %mul3A_234 = arith.constant 16 : i32
      %mul3A_235 = arith.muli %scan3A_233, %mul3A_234 : i32
      %broadcast_in_dim3A = arith.constant 0.000000e+00 : f32
      %broadcast_in_dim3A_236 = vector.broadcast %broadcast_in_dim3A : f32 to vector<16xf32>
      %parallel_loop3A = arith.constant 0 : i32
      %parallel_loop3A_237 = arith.constant 16 : i32
      %parallel_loop3A_238 = arith.constant 1 : i32
      %parallel_loop3A_239 = scf.for %parallel_loop3A_262 = %parallel_loop3A to %parallel_loop3A_237 step %parallel_loop3A_238 iter_args(%parallel_loop3A_263 = %broadcast_in_dim3A_236) -> (vector<16xf32>)  : i32 {
        %parallel_loop3A_264 = arith.addi %mul3A_235, %parallel_loop3A_262 : i32
        %parallel_loop3A_265 = arith.index_cast %parallel_loop3A_264 : i32 to index
        %parallel_loop3A_266 = arith.constant 0 : index
        %parallel_loop3A_267 = tpu.vector_load %arg16[%parallel_loop3A_265, %parallel_loop3A_266] {strides = array<i32>} : memref<128x128xf32, #tpu.memory_space<vmem>>, vector<16xf32>,
        %parallel_loop3A_268 = arith.index_cast %parallel_loop3A_264 : i32 to index
        %parallel_loop3A_269 = arith.constant 0 : index
        %parallel_loop3A_270 = tpu.vector_load %arg17[%parallel_loop3A_268, %parallel_loop3A_269] {strides = array<i32>} : memref<128x128xf32, #tpu.memory_space<vmem>>, vector<16xf32>,
        %parallel_loop3A_271 = arith.mulf %parallel_loop3A_267, %parallel_loop3A_270 : vector<16xf32>
        %parallel_loop3A_272 = arith.index_cast %parallel_loop3A_264 : i32 to index
        %parallel_loop3A_273 = arith.constant 16 : index
        %parallel_loop3A_274 = tpu.vector_load %arg16[%parallel_loop3A_272, %parallel_loop3A_273] {strides = array<i32>} : memref<128x128xf32, #tpu.memory_space<vmem>>, vector<16xf32>,
        %parallel_loop3A_275 = arith.index_cast %parallel_loop3A_264 : i32 to index
        %parallel_loop3A_276 = arith.constant 16 : index
        %parallel_loop3A_277 = tpu.vector_load %arg17[%parallel_loop3A_275, %parallel_loop3A_276] {strides = array<i32>} : memref<128x128xf32, #tpu.memory_space<vmem>>, vector<16xf32>,
        %parallel_loop3A_278 = arith.mulf %parallel_loop3A_274, %parallel_loop3A_277 : vector<16xf32>
        %parallel_loop3A_279 = arith.addf %parallel_loop3A_271, %parallel_loop3A_278 : vector<16xf32>
        %parallel_loop3A_280 = arith.index_cast %parallel_loop3A_264 : i32 to index
        %parallel_loop3A_281 = arith.constant 32 : index
        %parallel_loop3A_282 = tpu.vector_load %arg16[%parallel_loop3A_280, %parallel_loop3A_281] {strides = array<i32>} : memref<128x128xf32, #tpu.memory_space<vmem>>, vector<16xf32>,
        %parallel_loop3A_283 = arith.index_cast %parallel_loop3A_264 : i32 to index
        %parallel_loop3A_284 = arith.constant 32 : index
        %parallel_loop3A_285 = tpu.vector_load %arg17[%parallel_loop3A_283, %parallel_loop3A_284] {strides = array<i32>} : memref<128x128xf32, #tpu.memory_space<vmem>>, vector<16xf32>,
        %parallel_loop3A_286 = arith.mulf %parallel_loop3A_282, %parallel_loop3A_285 : vector<16xf32>
        %parallel_loop3A_287 = arith.addf %parallel_loop3A_279, %parallel_loop3A_286 : vector<16xf32>
        %parallel_loop3A_288 = arith.index_cast %parallel_loop3A_264 : i32 to index
        %parallel_loop3A_289 = arith.constant 48 : index
        %parallel_loop3A_290 = tpu.vector_load %arg16[%parallel_loop3A_288, %parallel_loop3A_289] {strides = array<i32>} : memref<128x128xf32, #tpu.memory_space<vmem>>, vector<16xf32>,
        %parallel_loop3A_291 = arith.index_cast %parallel_loop3A_264 : i32 to index
        %parallel_loop3A_292 = arith.constant 48 : index
        %parallel_loop3A_293 = tpu.vector_load %arg17[%parallel_loop3A_291, %parallel_loop3A_292] {strides = array<i32>} : memref<128x128xf32, #tpu.memory_space<vmem>>, vector<16xf32>,
        %parallel_loop3A_294 = arith.mulf %parallel_loop3A_290, %parallel_loop3A_293 : vector<16xf32>
        %parallel_loop3A_295 = arith.addf %parallel_loop3A_287, %parallel_loop3A_294 : vector<16xf32>
        %parallel_loop3A_296 = arith.index_cast %parallel_loop3A_264 : i32 to index
        %parallel_loop3A_297 = arith.constant 64 : index
        %parallel_loop3A_298 = tpu.vector_load %arg16[%parallel_loop3A_296, %parallel_loop3A_297] {strides = array<i32>} : memref<128x128xf32, #tpu.memory_space<vmem>>, vector<16xf32>,
        %parallel_loop3A_299 = arith.index_cast %parallel_loop3A_264 : i32 to index
        %parallel_loop3A_300 = arith.constant 64 : index
        %parallel_loop3A_301 = tpu.vector_load %arg17[%parallel_loop3A_299, %parallel_loop3A_300] {strides = array<i32>} : memref<128x128xf32, #tpu.memory_space<vmem>>, vector<16xf32>,
        %parallel_loop3A_302 = arith.mulf %parallel_loop3A_298, %parallel_loop3A_301 : vector<16xf32>
        %parallel_loop3A_303 = arith.addf %parallel_loop3A_295, %parallel_loop3A_302 : vector<16xf32>
        %parallel_loop3A_304 = arith.index_cast %parallel_loop3A_264 : i32 to index
        %parallel_loop3A_305 = arith.constant 80 : index
        %parallel_loop3A_306 = tpu.vector_load %arg16[%parallel_loop3A_304, %parallel_loop3A_305] {strides = array<i32>} : memref<128x128xf32, #tpu.memory_space<vmem>>, vector<16xf32>,
        %parallel_loop3A_307 = arith.index_cast %parallel_loop3A_264 : i32 to index
        %parallel_loop3A_308 = arith.constant 80 : index
        %parallel_loop3A_309 = tpu.vector_load %arg17[%parallel_loop3A_307, %parallel_loop3A_308] {strides = array<i32>} : memref<128x128xf32, #tpu.memory_space<vmem>>, vector<16xf32>,
        %parallel_loop3A_310 = arith.mulf %parallel_loop3A_306, %parallel_loop3A_309 : vector<16xf32>
        %parallel_loop3A_311 = arith.addf %parallel_loop3A_303, %parallel_loop3A_310 : vector<16xf32>
        %parallel_loop3A_312 = arith.index_cast %parallel_loop3A_264 : i32 to index
        %parallel_loop3A_313 = arith.constant 96 : index
        %parallel_loop3A_314 = tpu.vector_load %arg16[%parallel_loop3A_312, %parallel_loop3A_313] {strides = array<i32>} : memref<128x128xf32, #tpu.memory_space<vmem>>, vector<16xf32>,
        %parallel_loop3A_315 = arith.index_cast %parallel_loop3A_264 : i32 to index
        %parallel_loop3A_316 = arith.constant 96 : index
        %parallel_loop3A_317 = tpu.vector_load %arg17[%parallel_loop3A_315, %parallel_loop3A_316] {strides = array<i32>} : memref<128x128xf32, #tpu.memory_space<vmem>>, vector<16xf32>,
        %parallel_loop3A_318 = arith.mulf %parallel_loop3A_314, %parallel_loop3A_317 : vector<16xf32>
        %parallel_loop3A_319 = arith.addf %parallel_loop3A_311, %parallel_loop3A_318 : vector<16xf32>
        %parallel_loop3A_320 = arith.index_cast %parallel_loop3A_264 : i32 to index
        %parallel_loop3A_321 = arith.constant 112 : index
        %parallel_loop3A_322 = tpu.vector_load %arg16[%parallel_loop3A_320, %parallel_loop3A_321] {strides = array<i32>} : memref<128x128xf32, #tpu.memory_space<vmem>>, vector<16xf32>,
        %parallel_loop3A_323 = arith.index_cast %parallel_loop3A_264 : i32 to index
        %parallel_loop3A_324 = arith.constant 112 : index
        %parallel_loop3A_325 = tpu.vector_load %arg17[%parallel_loop3A_323, %parallel_loop3A_324] {strides = array<i32>} : memref<128x128xf32, #tpu.memory_space<vmem>>, vector<16xf32>,
        %parallel_loop3A_326 = arith.mulf %parallel_loop3A_322, %parallel_loop3A_325 : vector<16xf32>
        %parallel_loop3A_327 = arith.addf %parallel_loop3A_319, %parallel_loop3A_326 : vector<16xf32>
        %parallel_loop3A_328 = vector.broadcast %parallel_loop3A_262 : i32 to vector<16xi32>
        %parallel_loop3A_329 = arith.cmpi eq, %iota3A, %parallel_loop3A_328 : vector<16xi32>
        %parallel_loop3A_330 = arith.constant true
        %parallel_loop3A_331 = vector.broadcast %parallel_loop3A_330 : i1 to vector<16xi1>
        %parallel_loop3A_332 = tpu.scan <sum>, %parallel_loop3A_327 masked %parallel_loop3A_331 : vector<16xf32>, vector<16xi1> -> vector<16xf32>
        %parallel_loop3A_333 = vector.extract %parallel_loop3A_332[15] : f32 from vector<16xf32>
        %parallel_loop3A_334 = vector.broadcast %parallel_loop3A_333 : f32 to vector<16xf32>
        %parallel_loop3A_335 = arith.select %parallel_loop3A_329, %parallel_loop3A_334, %parallel_loop3A_263 : vector<16xi1>, vector<16xf32>
        scf.yield %parallel_loop3A_335 : vector<16xf32>
      } {sc.loop_unroll_factor = 4 : i64, sc.parallel_access}
      %multiple_of3A_240 = tpu.assume_multiple %mul3A_235, 16 : i32
      %get3A_241 = arith.index_cast %multiple_of3A_240 : i32 to index
      %get3A_242 = tpu.vector_load %arg22[%get3A_241] {strides = array<i32>} : memref<128xf32, #tpu.memory_space<vmem>>, vector<16xf32>,
      %add3A_243 = arith.addf %parallel_loop3A_239, %get3A_242 : vector<16xf32>
      %get3A_244 = arith.index_cast %multiple_of3A_240 : i32 to index
      %get3A_245 = tpu.vector_load %arg23[%get3A_244] {strides = array<i32>} : memref<128xf32, #tpu.memory_space<vmem>>, vector<16xf32>,
      %add3A_246 = arith.addf %add3A_243, %get3A_245 : vector<16xf32>
      %add3A_247 = arith.addf %add3A_246, %get3A_1 : vector<16xf32>
      %neg3A = arith.constant 0.000000e+00 : f32
      %neg3A_248 = vector.broadcast %neg3A : f32 to vector<16xf32>
      %neg3A_249 = arith.subf %neg3A_248, %add3A_247 : vector<16xf32>
      %exp3A = math.exp %neg3A_249 : vector<16xf32>
      %add3A_250 = arith.constant 1.000000e+00 : f32
      %add3A_251 = vector.broadcast %add3A_250 : f32 to vector<16xf32>
      %add3A_252 = arith.addf %add3A_251, %exp3A : vector<16xf32>
      %div3A = arith.constant 4.000000e+00 : f32
      %div3A_253 = vector.broadcast %div3A : f32 to vector<16xf32>
      %div3A_254 = arith.divf %div3A_253, %add3A_252 : vector<16xf32>
      %add3A_255 = arith.constant 1.000000e+00 : f32
      %add3A_256 = vector.broadcast %add3A_255 : f32 to vector<16xf32>
      %add3A_257 = arith.addf %add3A_256, %div3A_254 : vector<16xf32>
      %add3A_258 = arith.constant 256 : i32
      %add3A_259 = arith.addi %add3A_258, %mul3A_235 : i32
      %multiple_of3A_260 = tpu.assume_multiple %add3A_259, 16 : i32
      %swap3A = arith.index_cast %multiple_of3A_260 : i32 to index
      %swap3A_261 = tpu.vector_load %arg24[%swap3A] {strides = array<i32>} : memref<512xf32, #tpu.memory_space<vmem>>, vector<16xf32>,
      tpu.vector_store %arg24[%swap3A], %add3A_257 {strides = array<i32>} : memref<512xf32, #tpu.memory_space<vmem>>, vector<16xf32>,
    }
    %scan3A_198 = arith.constant 8 : i32
    %dma_wait3A_199 = arith.constant 3 : i32
    %dma_wait3A_200 = arith.constant 0 : i32
    %dma_wait3A_201 = tpu.memref_slice %arg10[%dma_wait3A_199, %dma_wait3A_200] : memref<4x128xi32, #tpu.memory_space<vmem>> -> memref<1x128xi32, #tpu.memory_space<vmem>>
    %dma_wait3A_202 = tpu.memref_squeeze %dma_wait3A_201 : memref<1x128xi32, #tpu.memory_space<vmem>> -> memref<128xi32, #tpu.memory_space<vmem>>
    %dma_wait3A_203 = arith.constant 0 : i32
    %dma_wait3A_204 = arith.constant 0 : i32
    %dma_wait3A_205 = tpu.memref_slice %arg4[%dma_wait3A_203, %dma_wait3A_204] : memref<100000x128xf32, #tpu.memory_space<hbm>> -> memref<100000x128xf32, #tpu.memory_space<hbm>>
    tpu.wait_indirect_dma semaphore(%arg26 : memref<!tpu.dma_semaphore, #tpu.memory_space<semaphore_mem>>) src(%dma_wait3A_205 : memref<100000x128xf32, #tpu.memory_space<hbm>>) dst(%arg12 : memref<128x128xf32, #tpu.memory_space<vmem>>)
    %dma_wait3A_206 = arith.constant 3 : i32
    %dma_wait3A_207 = arith.constant 0 : i32
    %dma_wait3A_208 = tpu.memref_slice %arg11[%dma_wait3A_206, %dma_wait3A_207] : memref<4x128xi32, #tpu.memory_space<vmem>> -> memref<1x128xi32, #tpu.memory_space<vmem>>
    %dma_wait3A_209 = tpu.memref_squeeze %dma_wait3A_208 : memref<1x128xi32, #tpu.memory_space<vmem>> -> memref<128xi32, #tpu.memory_space<vmem>>
    %dma_wait3A_210 = arith.constant 0 : i32
    %dma_wait3A_211 = arith.constant 0 : i32
    %dma_wait3A_212 = tpu.memref_slice %arg5[%dma_wait3A_210, %dma_wait3A_211] : memref<1000000x128xf32, #tpu.memory_space<hbm>> -> memref<1000000x128xf32, #tpu.memory_space<hbm>>
    tpu.wait_indirect_dma semaphore(%arg27 : memref<!tpu.dma_semaphore, #tpu.memory_space<semaphore_mem>>) src(%dma_wait3A_212 : memref<1000000x128xf32, #tpu.memory_space<hbm>>) dst(%arg13 : memref<128x128xf32, #tpu.memory_space<vmem>>)
    %dma_wait3A_213 = arith.constant 3 : i32
    %dma_wait3A_214 = arith.constant 0 : i32
    %dma_wait3A_215 = tpu.memref_slice %arg10[%dma_wait3A_213, %dma_wait3A_214] : memref<4x128xi32, #tpu.memory_space<vmem>> -> memref<1x128xi32, #tpu.memory_space<vmem>>
    %dma_wait3A_216 = tpu.memref_squeeze %dma_wait3A_215 : memref<1x128xi32, #tpu.memory_space<vmem>> -> memref<128xi32, #tpu.memory_space<vmem>>
    %dma_wait3A_217 = arith.constant 0 : i32
    %dma_wait3A_218 = tpu.memref_slice %arg6[%dma_wait3A_217] : memref<100000xf32, #tpu.memory_space<hbm>> -> memref<100000xf32, #tpu.memory_space<hbm>>
    tpu.wait_indirect_dma semaphore(%arg28 : memref<!tpu.dma_semaphore, #tpu.memory_space<semaphore_mem>>) src(%dma_wait3A_218 : memref<100000xf32, #tpu.memory_space<hbm>>) dst(%arg18 : memref<128xf32, #tpu.memory_space<vmem>>)
    %dma_wait3A_219 = arith.constant 3 : i32
    %dma_wait3A_220 = arith.constant 0 : i32
    %dma_wait3A_221 = tpu.memref_slice %arg11[%dma_wait3A_219, %dma_wait3A_220] : memref<4x128xi32, #tpu.memory_space<vmem>> -> memref<1x128xi32, #tpu.memory_space<vmem>>
    %dma_wait3A_222 = tpu.memref_squeeze %dma_wait3A_221 : memref<1x128xi32, #tpu.memory_space<vmem>> -> memref<128xi32, #tpu.memory_space<vmem>>
    %dma_wait3A_223 = arith.constant 0 : i32
    %dma_wait3A_224 = tpu.memref_slice %arg7[%dma_wait3A_223] : memref<1000000xf32, #tpu.memory_space<hbm>> -> memref<1000000xf32, #tpu.memory_space<hbm>>
    tpu.wait_indirect_dma semaphore(%arg29 : memref<!tpu.dma_semaphore, #tpu.memory_space<semaphore_mem>>) src(%dma_wait3A_224 : memref<1000000xf32, #tpu.memory_space<hbm>>) dst(%arg19 : memref<128xf32, #tpu.memory_space<vmem>>)
    %scan3A_225 = arith.constant 0 : i32
    %scan3A_226 = arith.constant 0 : i32
    %scan3A_227 = arith.constant 8 : i32
    %scan3A_228 = arith.addi %scan3A_226, %scan3A_227 : i32
    %scan3A_229 = arith.constant 1 : i32
    scf.for %scan3A_233 = %scan3A_226 to %scan3A_228 step %scan3A_229  : i32 {
      %mul3A_234 = arith.constant 16 : i32
      %mul3A_235 = arith.muli %scan3A_233, %mul3A_234 : i32
      %broadcast_in_dim3A = arith.constant 0.000000e+00 : f32
      %broadcast_in_dim3A_236 = vector.broadcast %broadcast_in_dim3A : f32 to vector<16xf32>
      %parallel_loop3A = arith.constant 0 : i32
      %parallel_loop3A_237 = arith.constant 16 : i32
      %parallel_loop3A_238 = arith.constant 1 : i32
      %parallel_loop3A_239 = scf.for %parallel_loop3A_262 = %parallel_loop3A to %parallel_loop3A_237 step %parallel_loop3A_238 iter_args(%parallel_loop3A_263 = %broadcast_in_dim3A_236) -> (vector<16xf32>)  : i32 {
        %parallel_loop3A_264 = arith.addi %mul3A_235, %parallel_loop3A_262 : i32
        %parallel_loop3A_265 = arith.index_cast %parallel_loop3A_264 : i32 to index
        %parallel_loop3A_266 = arith.constant 0 : index
        %parallel_loop3A_267 = tpu.vector_load %arg12[%parallel_loop3A_265, %parallel_loop3A_266] {strides = array<i32>} : memref<128x128xf32, #tpu.memory_space<vmem>>, vector<16xf32>,
        %parallel_loop3A_268 = arith.index_cast %parallel_loop3A_264 : i32 to index
        %parallel_loop3A_269 = arith.constant 0 : index
        %parallel_loop3A_270 = tpu.vector_load %arg13[%parallel_loop3A_268, %parallel_loop3A_269] {strides = array<i32>} : memref<128x128xf32, #tpu.memory_space<vmem>>, vector<16xf32>,
        %parallel_loop3A_271 = arith.mulf %parallel_loop3A_267, %parallel_loop3A_270 : vector<16xf32>
        %parallel_loop3A_272 = arith.index_cast %parallel_loop3A_264 : i32 to index
        %parallel_loop3A_273 = arith.constant 16 : index
        %parallel_loop3A_274 = tpu.vector_load %arg12[%parallel_loop3A_272, %parallel_loop3A_273] {strides = array<i32>} : memref<128x128xf32, #tpu.memory_space<vmem>>, vector<16xf32>,
        %parallel_loop3A_275 = arith.index_cast %parallel_loop3A_264 : i32 to index
        %parallel_loop3A_276 = arith.constant 16 : index
        %parallel_loop3A_277 = tpu.vector_load %arg13[%parallel_loop3A_275, %parallel_loop3A_276] {strides = array<i32>} : memref<128x128xf32, #tpu.memory_space<vmem>>, vector<16xf32>,
        %parallel_loop3A_278 = arith.mulf %parallel_loop3A_274, %parallel_loop3A_277 : vector<16xf32>
        %parallel_loop3A_279 = arith.addf %parallel_loop3A_271, %parallel_loop3A_278 : vector<16xf32>
        %parallel_loop3A_280 = arith.index_cast %parallel_loop3A_264 : i32 to index
        %parallel_loop3A_281 = arith.constant 32 : index
        %parallel_loop3A_282 = tpu.vector_load %arg12[%parallel_loop3A_280, %parallel_loop3A_281] {strides = array<i32>} : memref<128x128xf32, #tpu.memory_space<vmem>>, vector<16xf32>,
        %parallel_loop3A_283 = arith.index_cast %parallel_loop3A_264 : i32 to index
        %parallel_loop3A_284 = arith.constant 32 : index
        %parallel_loop3A_285 = tpu.vector_load %arg13[%parallel_loop3A_283, %parallel_loop3A_284] {strides = array<i32>} : memref<128x128xf32, #tpu.memory_space<vmem>>, vector<16xf32>,
        %parallel_loop3A_286 = arith.mulf %parallel_loop3A_282, %parallel_loop3A_285 : vector<16xf32>
        %parallel_loop3A_287 = arith.addf %parallel_loop3A_279, %parallel_loop3A_286 : vector<16xf32>
        %parallel_loop3A_288 = arith.index_cast %parallel_loop3A_264 : i32 to index
        %parallel_loop3A_289 = arith.constant 48 : index
        %parallel_loop3A_290 = tpu.vector_load %arg12[%parallel_loop3A_288, %parallel_loop3A_289] {strides = array<i32>} : memref<128x128xf32, #tpu.memory_space<vmem>>, vector<16xf32>,
        %parallel_loop3A_291 = arith.index_cast %parallel_loop3A_264 : i32 to index
        %parallel_loop3A_292 = arith.constant 48 : index
        %parallel_loop3A_293 = tpu.vector_load %arg13[%parallel_loop3A_291, %parallel_loop3A_292] {strides = array<i32>} : memref<128x128xf32, #tpu.memory_space<vmem>>, vector<16xf32>,
        %parallel_loop3A_294 = arith.mulf %parallel_loop3A_290, %parallel_loop3A_293 : vector<16xf32>
        %parallel_loop3A_295 = arith.addf %parallel_loop3A_287, %parallel_loop3A_294 : vector<16xf32>
        %parallel_loop3A_296 = arith.index_cast %parallel_loop3A_264 : i32 to index
        %parallel_loop3A_297 = arith.constant 64 : index
        %parallel_loop3A_298 = tpu.vector_load %arg12[%parallel_loop3A_296, %parallel_loop3A_297] {strides = array<i32>} : memref<128x128xf32, #tpu.memory_space<vmem>>, vector<16xf32>,
        %parallel_loop3A_299 = arith.index_cast %parallel_loop3A_264 : i32 to index
        %parallel_loop3A_300 = arith.constant 64 : index
        %parallel_loop3A_301 = tpu.vector_load %arg13[%parallel_loop3A_299, %parallel_loop3A_300] {strides = array<i32>} : memref<128x128xf32, #tpu.memory_space<vmem>>, vector<16xf32>,
        %parallel_loop3A_302 = arith.mulf %parallel_loop3A_298, %parallel_loop3A_301 : vector<16xf32>
        %parallel_loop3A_303 = arith.addf %parallel_loop3A_295, %parallel_loop3A_302 : vector<16xf32>
        %parallel_loop3A_304 = arith.index_cast %parallel_loop3A_264 : i32 to index
        %parallel_loop3A_305 = arith.constant 80 : index
        %parallel_loop3A_306 = tpu.vector_load %arg12[%parallel_loop3A_304, %parallel_loop3A_305] {strides = array<i32>} : memref<128x128xf32, #tpu.memory_space<vmem>>, vector<16xf32>,
        %parallel_loop3A_307 = arith.index_cast %parallel_loop3A_264 : i32 to index
        %parallel_loop3A_308 = arith.constant 80 : index
        %parallel_loop3A_309 = tpu.vector_load %arg13[%parallel_loop3A_307, %parallel_loop3A_308] {strides = array<i32>} : memref<128x128xf32, #tpu.memory_space<vmem>>, vector<16xf32>,
        %parallel_loop3A_310 = arith.mulf %parallel_loop3A_306, %parallel_loop3A_309 : vector<16xf32>
        %parallel_loop3A_311 = arith.addf %parallel_loop3A_303, %parallel_loop3A_310 : vector<16xf32>
        %parallel_loop3A_312 = arith.index_cast %parallel_loop3A_264 : i32 to index
        %parallel_loop3A_313 = arith.constant 96 : index
        %parallel_loop3A_314 = tpu.vector_load %arg12[%parallel_loop3A_312, %parallel_loop3A_313] {strides = array<i32>} : memref<128x128xf32, #tpu.memory_space<vmem>>, vector<16xf32>,
        %parallel_loop3A_315 = arith.index_cast %parallel_loop3A_264 : i32 to index
        %parallel_loop3A_316 = arith.constant 96 : index
        %parallel_loop3A_317 = tpu.vector_load %arg13[%parallel_loop3A_315, %parallel_loop3A_316] {strides = array<i32>} : memref<128x128xf32, #tpu.memory_space<vmem>>, vector<16xf32>,
        %parallel_loop3A_318 = arith.mulf %parallel_loop3A_314, %parallel_loop3A_317 : vector<16xf32>
        %parallel_loop3A_319 = arith.addf %parallel_loop3A_311, %parallel_loop3A_318 : vector<16xf32>
        %parallel_loop3A_320 = arith.index_cast %parallel_loop3A_264 : i32 to index
        %parallel_loop3A_321 = arith.constant 112 : index
        %parallel_loop3A_322 = tpu.vector_load %arg12[%parallel_loop3A_320, %parallel_loop3A_321] {strides = array<i32>} : memref<128x128xf32, #tpu.memory_space<vmem>>, vector<16xf32>,
        %parallel_loop3A_323 = arith.index_cast %parallel_loop3A_264 : i32 to index
        %parallel_loop3A_324 = arith.constant 112 : index
        %parallel_loop3A_325 = tpu.vector_load %arg13[%parallel_loop3A_323, %parallel_loop3A_324] {strides = array<i32>} : memref<128x128xf32, #tpu.memory_space<vmem>>, vector<16xf32>,
        %parallel_loop3A_326 = arith.mulf %parallel_loop3A_322, %parallel_loop3A_325 : vector<16xf32>
        %parallel_loop3A_327 = arith.addf %parallel_loop3A_319, %parallel_loop3A_326 : vector<16xf32>
        %parallel_loop3A_328 = vector.broadcast %parallel_loop3A_262 : i32 to vector<16xi32>
        %parallel_loop3A_329 = arith.cmpi eq, %iota3A, %parallel_loop3A_328 : vector<16xi32>
        %parallel_loop3A_330 = arith.constant true
        %parallel_loop3A_331 = vector.broadcast %parallel_loop3A_330 : i1 to vector<16xi1>
        %parallel_loop3A_332 = tpu.scan <sum>, %parallel_loop3A_327 masked %parallel_loop3A_331 : vector<16xf32>, vector<16xi1> -> vector<16xf32>
        %parallel_loop3A_333 = vector.extract %parallel_loop3A_332[15] : f32 from vector<16xf32>
        %parallel_loop3A_334 = vector.broadcast %parallel_loop3A_333 : f32 to vector<16xf32>
        %parallel_loop3A_335 = arith.select %parallel_loop3A_329, %parallel_loop3A_334, %parallel_loop3A_263 : vector<16xi1>, vector<16xf32>
        scf.yield %parallel_loop3A_335 : vector<16xf32>
      } {sc.loop_unroll_factor = 4 : i64, sc.parallel_access}
      %multiple_of3A_240 = tpu.assume_multiple %mul3A_235, 16 : i32
      %get3A_241 = arith.index_cast %multiple_of3A_240 : i32 to index
      %get3A_242 = tpu.vector_load %arg18[%get3A_241] {strides = array<i32>} : memref<128xf32, #tpu.memory_space<vmem>>, vector<16xf32>,
      %add3A_243 = arith.addf %parallel_loop3A_239, %get3A_242 : vector<16xf32>
      %get3A_244 = arith.index_cast %multiple_of3A_240 : i32 to index
      %get3A_245 = tpu.vector_load %arg19[%get3A_244] {strides = array<i32>} : memref<128xf32, #tpu.memory_space<vmem>>, vector<16xf32>,
      %add3A_246 = arith.addf %add3A_243, %get3A_245 : vector<16xf32>
      %add3A_247 = arith.addf %add3A_246, %get3A_1 : vector<16xf32>
      %neg3A = arith.constant 0.000000e+00 : f32
      %neg3A_248 = vector.broadcast %neg3A : f32 to vector<16xf32>
      %neg3A_249 = arith.subf %neg3A_248, %add3A_247 : vector<16xf32>
      %exp3A = math.exp %neg3A_249 : vector<16xf32>
      %add3A_250 = arith.constant 1.000000e+00 : f32
      %add3A_251 = vector.broadcast %add3A_250 : f32 to vector<16xf32>
      %add3A_252 = arith.addf %add3A_251, %exp3A : vector<16xf32>
      %div3A = arith.constant 4.000000e+00 : f32
      %div3A_253 = vector.broadcast %div3A : f32 to vector<16xf32>
      %div3A_254 = arith.divf %div3A_253, %add3A_252 : vector<16xf32>
      %add3A_255 = arith.constant 1.000000e+00 : f32
      %add3A_256 = vector.broadcast %add3A_255 : f32 to vector<16xf32>
      %add3A_257 = arith.addf %add3A_256, %div3A_254 : vector<16xf32>
      %add3A_258 = arith.constant 384 : i32
      %add3A_259 = arith.addi %add3A_258, %mul3A_235 : i32
      %multiple_of3A_260 = tpu.assume_multiple %add3A_259, 16 : i32
      %swap3A = arith.index_cast %multiple_of3A_260 : i32 to index
      %swap3A_261 = tpu.vector_load %arg24[%swap3A] {strides = array<i32>} : memref<512xf32, #tpu.memory_space<vmem>>, vector<16xf32>,
      tpu.vector_store %arg24[%swap3A], %add3A_257 {strides = array<i32>} : memref<512xf32, #tpu.memory_space<vmem>>, vector<16xf32>,
    }
    %scan3A_230 = arith.constant 8 : i32
    %mul3A_231 = arith.constant 512 : i32
    %mul3A_232 = arith.muli %add3A, %mul3A_231 : i32
    %multiple_of3A = tpu.assume_multiple %mul3A_232, 512 : i32
    "tpu.region"() ({
      %run_scoped3A = tpu.sem_alloc : memref<!tpu.dma_semaphore, #tpu.memory_space<semaphore_mem>>
      %dma_start3A_233 = tpu.memref_slice %arg9[%multiple_of3A] : memref<16384xf32, #tpu.memory_space<hbm>> -> memref<512xf32, #tpu.memory_space<hbm>>
      %dma_start3A_234 = tpu.memref_slice %arg9[%multiple_of3A] : memref<16384xf32, #tpu.memory_space<hbm>> -> memref<512xf32, #tpu.memory_space<hbm>>
      tpu.enqueue_dma source(%arg24 : memref<512xf32, #tpu.memory_space<vmem>>) target(%dma_start3A_234 : memref<512xf32, #tpu.memory_space<hbm>>) target_semaphore(%run_scoped3A : memref<!tpu.dma_semaphore, #tpu.memory_space<semaphore_mem>>)
      %dma_wait3A_235 = tpu.memref_slice %arg9[%multiple_of3A] : memref<16384xf32, #tpu.memory_space<hbm>> -> memref<512xf32, #tpu.memory_space<hbm>>
      %dma_wait3A_236 = tpu.memref_slice %arg9[%multiple_of3A] : memref<16384xf32, #tpu.memory_space<hbm>> -> memref<512xf32, #tpu.memory_space<hbm>>
      tpu.wait_dma2 semaphore(%run_scoped3A : memref<!tpu.dma_semaphore, #tpu.memory_space<semaphore_mem>>) src(%arg24 : memref<512xf32, #tpu.memory_space<vmem>>) dst(%dma_wait3A_236 : memref<512xf32, #tpu.memory_space<hbm>>)
      tpu.yield
    }) : () -> ()
    return
  }
}

</mosaic_0001>

<sc_bundles>
// kernel: kernel.3.cloned.1.call-start
scs
__scs_entry_jumppad:
0x0: {  	(pc) =	sbr.rel $0x88, $3  }
0x1: {  	(tag) =	ssettag $0x0;
	lr =	simm.s32 $0x1  }
0x2: {  	[smem:$0x3F9A] =	sst lr;
	_ =	strace $0xD0000000  }
0x3: {  	_ = 	snop  }
0x4: {  	_ = 	snop  }
0x5: {  	_ = 	snop  }
0x6: {  	_ = 	snop  }
0x7: {  	_ = 	snop  }
__scs_overlays_trampoline_lowered:
0x8: {  	[smem:$0x3FA9] =	sst s0  }
0x9: {  	[smem:$0x3FAA] =	sst s1  }
0xa: {  	[smem:$0x3FAB] =	sst s2  }
0xb: {  	[smem:$0x3FAC] =	sst s3  }
0xc: {  	[smem:$0x3FAD] =	sst s4  }
0xd: {  	[smem:$0x3FAE] =	sst s5  }
0xe: {  	[smem:$0x3FAF] =	sst s6  }
0xf: {  	[smem:$0x3FB0] =	sst s7  }
0x10: {  	[smem:$0x3FB1] =	sst s8  }
0x11: {  	[smem:$0x3FB2] =	sst s9;
	s0 =	simm.s32 @!p0 $0x0  }
0x12: {  	s1 =	sld [smem:$0x3F98];
	s0 =	simm.s32 @p0 $0x1  }
0x13: {  	[smem:$0x3FB3] =	sst s0;
	s0 =	simm.s32 @!p1 $0x0  }
0x14: {  	s2 =	sld [smem:$0x3F97];
	s0 =	simm.s32 @p1 $0x1  }
0x15: {  	[smem:$0x3FB4] =	sst s0;
	s0 =	simm.s32 @!p2 $0x0  }
0x16: {  	s3 =	sld [smem:$0x3FDB];
	s0 =	simm.s32 @p2 $0x1  }
0x17: {  	s4 =	simm.s32 $0x1BF5;
	[smem:$0x3FB6] =	sst s0  }
0x18: {  	s0 =	sld [smem:$0x3F99];
	_ =	swait.ge [sflag:s4], $0x0  }
0x19: {  	s7 =	sld [smem:$0x3F9A]  }
0x1a: {  	s8 =	sadd.s32 $0xFFFFE003, lr  }
0x1b: {  	s9 =	sadd.s32 $0xFFFFFEF7, lr;
	s5 =	simm.s32 $0xFFFFFFFF;
	p2 =	slt.u32 s8, $0xFFFFF086  }
0x1c: {  	p1 =	slt.u32 s9, $0xF7A;
	s5 =	simm.s32 @!p2 $0x0  }
0x1d: {  	s5 =	simm.s32 @p1 $0x1;
	p0 =	seq.s32 s7, s2  }
0x1e: {  	s7 =	smul.u32 @!p0 $0xF7A, s2;
	p2 =	seq.s32 @!p0 s5, $0x0  }
0x1f: {  	s9 =	smul.u32 $0xF7A, s1;
	s8 =	simm.s32 @!p0 $0x1BF5;
	p2 =	por !p2, p0  }
0x20: {  	[sflag:s8] =	ssyncset.s32 @!p0 $0xFFFFF086;
	s6 =	sadd.s32 @!p0 s3, s7;
	s7 =	simm.s32 @!p0 $0x108  }
0x21: {  	s3 =	sadd.s32 s3, s9;
	s6 =	sadd.s32 @!p0 $0x88, s6;
	s7 =	simm.s32 @p2 $0x1082  }
0x22: {  	[simem:s7], [sflag:s8] =	dma.local @!p0 [hbm:s6], $0xF7A  }
0x23: {  	s9 =	sor.u32 $0xD0000000, s2;
	s6 =	simm.s32 $0x108;
	_ =	swait.ge @!p0 [sflag:s8], $0x0  }
0x24: {  	s3 =	sadd.s32 $0x88, s3;
	s6 =	simm.s32 @!p1 $0x1082;
	[sflag:s4] =	ssyncset.s32 $0xFFFFF086  }
0x25: {  	[simem:s6], [sflag:s4] =	dma.local [hbm:s3], $0xF7A  }
0x26: {  	[smem:$0x3F9A] =	sst s1;
	(tag) =	ssettag s2;
	_ =	strace s9  }
0x27: {  	s1 =	sld [smem:$0x3FAA]  }
0x28: {  	s2 =	sld [smem:$0x3FAB]  }
0x29: {  	s4 =	sld [smem:$0x3FAD]  }
0x2a: {  	p0 =	seq.s32 s5, $0x0;
	s5 =	sld [smem:$0x3FAE]  }
0x2b: {  	s6 =	sld [smem:$0x3FAF]  }
0x2c: {  	s7 =	sld [smem:$0x3FB0]  }
0x2d: {  	s3 =	simm.s32 $0x108;
	s8 =	sld [smem:$0x3FB1]  }
0x2e: {  	s3 =	simm.s32 @!p0 $0x1082;
	s9 =	sld [smem:$0x3FB2]  }
0x2f: {  	lr =	sadd.s32 s0, s3;
	s0 =	sld [smem:$0x3FA9]  }
0x30: {  	s3 =	sld [smem:$0x3FAC]  }
0x31: {  	[smem:$0x3FB5] =	sst s10  }
0x32: {  	s10 =	sld [smem:$0x3FB3];
	_ =	sdelay $0x3  }
0x33: {  	p0 =	seq.s32 s10, $0x1;
	s10 =	sld [smem:$0x3FB5];
	_ =	sdelay $0x3  }
0x34: {  	[smem:$0x3FB5] =	sst s10  }
0x35: {  	s10 =	sld [smem:$0x3FB4];
	_ =	sdelay $0x3  }
0x36: {  	p1 =	seq.s32 s10, $0x1;
	s10 =	sld [smem:$0x3FB5];
	_ =	sdelay $0x3  }
0x37: {  	[smem:$0x3FB5] =	sst s10  }
0x38: {  	s10 =	sld [smem:$0x3FB6]  }
0x39: {  	_ = 	snop;
	(pc) =	sbr.ind lr, $3  }
0x3a: {  	_ = 	snop  }
0x3b: {  	_ = 	snop  }
0x3c: {  	p2 =	seq.s32 s10, $0x1;
	s10 =	sld [smem:$0x3FB5]  }
0x3d: {  	_ =	shalt  }
0x3e: {  	_ =	shalt  }
0x3f: {  	_ =	shalt  }
0x40: {  	_ =	shalt  }
0x41: {  	_ =	shalt  }
0x42: {  	_ =	shalt  }
0x43: {  	_ =	shalt  }
0x44: {  	_ =	shalt  }
0x45: {  	_ =	shalt  }
0x46: {  	_ =	shalt  }
0x47: {  	_ =	shalt  }
0x48: {  	_ =	shalt  }
0x49: {  	_ =	shalt  }
0x4a: {  	_ =	shalt  }
0x4b: {  	_ =	shalt  }
0x4c: {  	_ =	shalt  }
0x4d: {  	_ =	shalt  }
0x4e: {  	_ =	shalt  }
0x4f: {  	_ =	shalt  }
0x50: {  	_ =	shalt  }
0x51: {  	_ =	shalt  }
0x52: {  	_ =	shalt  }
0x53: {  	_ =	shalt  }
0x54: {  	_ =	shalt  }
0x55: {  	_ =	shalt  }
0x56: {  	_ =	shalt  }
0x57: {  	_ =	shalt  }
0x58: {  	_ =	shalt  }
0x59: {  	_ =	shalt  }
0x5a: {  	_ =	shalt  }
0x5b: {  	_ =	shalt  }
0x5c: {  	_ =	shalt  }
0x5d: {  	_ =	shalt  }
0x5e: {  	_ =	shalt  }
0x5f: {  	_ =	shalt  }
0x60: {  	_ =	shalt  }
0x61: {  	_ =	shalt  }
0x62: {  	_ =	shalt  }
0x63: {  	_ =	shalt  }
0x64: {  	_ =	shalt  }
0x65: {  	_ =	shalt  }
0x66: {  	_ =	shalt  }
0x67: {  	_ =	shalt  }
0x68: {  	_ =	shalt  }
0x69: {  	_ =	shalt  }
0x6a: {  	_ =	shalt  }
0x6b: {  	_ =	shalt  }
0x6c: {  	_ =	shalt  }
0x6d: {  	_ =	shalt  }
0x6e: {  	_ =	shalt  }
0x6f: {  	_ =	shalt  }
0x70: {  	_ =	shalt  }
0x71: {  	_ =	shalt  }
0x72: {  	_ =	shalt  }
0x73: {  	_ =	shalt  }
0x74: {  	_ =	shalt  }
0x75: {  	_ =	shalt  }
0x76: {  	_ =	shalt  }
0x77: {  	_ =	shalt  }
0x78: {  	_ =	shalt  }
0x79: {  	_ =	shalt  }
0x7a: {  	_ =	shalt  }
0x7b: {  	_ =	shalt  }
0x7c: {  	_ =	shalt  }
0x7d: {  	_ =	shalt  }
0x7e: {  	_ =	shalt  }
0x7f: {  	_ =	shalt  }
0x80: {  	_ =	shalt  }
0x81: {  	_ =	shalt  }
0x82: {  	_ =	shalt  }
0x83: {  	_ =	shalt  }
0x84: {  	_ =	shalt  }
0x85: {  	_ =	shalt  }
0x86: {  	_ =	shalt  }
0x87: {  	_ =	shalt  }
.Lfunc_end0:
.L_simem_size_0:
called_computation_lowered:
.L_overlay_start_0:
0x88: {  	s2 =	sld [smem:$0x3FD9]  }
0x89: {  	s3 =	sld [smem:$0x3FFE];
	_ =	sdelay $0x1  }
0x8a: {  	s1 =	srdreg.scid  }
0x8b: {  	s0 =	sand.u32 $0x1, s1  }
0x8c: {  	s17 =	sshll.u32 s0, $0xA;
	s2 =	sadd.s32 s3, s2  }
0x8d: {  	s2 =	sadd.s32 s2, s17  }
0x8e: {  	[smem:$0x3FC1] =	sst s2  }
0x8f: {  	_ = 	snop  }
0x90: {  	s2 =	sld [smem:$0x3FC9]  }
0x91: {  	s18 =	sld [smem:$0x3FC8]  }
0x92: {  	s4 =	sld [smem:$0x3FC7]  }
0x93: {  	s5 =	sld [smem:$0x3FC6]  }
0x94: {  	s6 =	sld [smem:$0x3FC5]  }
0x95: {  	s7 =	sld [smem:$0x3FC4]  }
0x96: {  	s8 =	sld [smem:$0x3FD0];
	(tm) =	ssettm $0x1  }
0x97: {  	s9 =	sld [smem:$0x3FFB];
	_ =	sdelay $0x3  }
0x98: {  	_ =	strace s9  }
0x99: {  	s9 =	sld [smem:$0x3FFC];
	_ =	sdelay $0x3  }
0x9a: {  	_ =	strace s9  }
0x9b: {  	s9 =	sld [smem:$0x3FFD];
	_ =	sdelay $0x3  }
0x9c: {  	_ =	strace s9  }
0x9d: {  	_ =	strace $0x8FFFFFFF  }
0x9e: {  	s19 =	sld [smem:$0x3FDB];
	_ =	sdelay $0x1  }
0x9f: {  	s10 =	simm.s32 $_scs_section_size  }
0xa0: {  	s11 =	simm.s32 $_size__tile_overlayer_lowered;
	s12 =	simm.s32 $_tile_overlayer_lowered  }
0xa1: {  	s22 =	simm.s32 $0x1BFF;
	s21 =	sshll.u32 s12, $0x1;
	s9 =	sadd.s32 s10, s19  }
0xa2: {  	s13 =	simm.s32 $0x0;
	s20 =	sshll.u32 s11, $0x1;
	s11 =	sadd.s32 s21, s9  }
0xa3: {  	[timem:s13], [sflag:s22] =	dma.local [hbm:s11], s20  }
0xa4: {  	_ =	swait.ge [sflag:s22], s20  }
0xa5: {  	s10 =	ssub.s32 $0x0, s20;
	[sflag:s22] =	ssyncset.done $0x0  }
0xa6: {  	[sflag:s22] =	ssyncadd.s32 s10;
	_ =	sdelay $0x1  }
0xa7: {  	s23 =	simm.s32 $0x1B8B  }
0xa8: {  	_ =	swait.ge [sflag:s23], $0x1  }
0xa9: {  	[sflag:s23] =	ssyncset.done $0x0  }
0xaa: {  	s25 =	simm.s32 $0x1B8E;
	s24 =	sld [smem:$0x3FFE];
	[sflag:s23] =	ssyncadd.s32 $0xFFFFFFFF  }
0xab: {  	s26 =	simm.s32 $execute0_lowered;
	[smem:$0x3FD2] =	sst s25  }
0xac: {  	s11 =	sshll.u32 s26, $0x1;
	_ =	strace $0x80000046;
	[dreg:$0x1] =	wrdreg $0xFFFFFFFF  }
0xad: {  	s28 =	simm.s32 $_size_execute0_lowered;
	s9 =	sadd.s32 s9, s11;
	[dreg:$0x0] =	wrdreg $0x0  }
0xae: {  	s11 =	sshll.u32 s28, $0x1;
	[dreg:$0x2] =	wrdreg s9  }
0xaf: {  	[dreg:$0x3] =	wrdreg s11  }
0xb0: {  	[dreg:$0x4] =	wrdreg $0xC0  }
0xb1: {  	_ =	task [dreg:s13], $0x5FFFF  }
0xb2: {  	[dreg:$0x1] =	wrdreg $0xFFFFFFFF  }
0xb3: {  	[dreg:$0x0] =	wrdreg $0x60  }
0xb4: {  	[dreg:$0x2] =	wrdreg s2  }
0xb5: {  	[dreg:$0x3] =	wrdreg s18  }
0xb6: {  	[dreg:$0x4] =	wrdreg s4  }
0xb7: {  	[dreg:$0x5] =	wrdreg s5  }
0xb8: {  	[dreg:$0x6] =	wrdreg s6  }
0xb9: {  	[dreg:$0x7] =	wrdreg s7  }
0xba: {  	[dreg:$0x8] =	wrdreg s24  }
0xbb: {  	[dreg:$0x9] =	wrdreg s8  }
0xbc: {  	[dreg:$0xa] =	wrdreg $0x9  }
0xbd: {  	_ =	task.clear_ibuf [dreg:s13], $0xBFFFF;
	_ =	strace $0x90000046  }
0xbe: {  	s29 =	simm.s32 $0x9;
	_ =	strace $0x80000048  }
0xbf: {  	_ =	swait.ge [sflag:s29], $0x1  }
0xc0: {  	[sflag:s29] =	ssyncadd.s32 $0xFFFFFFFF  }
0xc1: {  	_ =	strace $0x90000048  }
0xc2: {  	_ =	sfence  }
0xc3: {  	s30 =	sld [smem:$0x0];
	_ =	sdelay $0x2  }
0xc4: {  	s31 =	sshll.u32 s1, $0xD;
	s1 =	sshrl.u32 s1, $0x2  }
0xc5: {  	s3 =	sand.u32 $0x4000, s31;
	s1 =	sadd.s32 s1, s30  }
0xc6: {  	s0 =	sor.u32 s3, s0;
	s1 =	sshll.u32 s1, $0x11  }
0xc7: {  	s0 =	sor.u32 s1, s0  }
0xc8: {  	s0 =	sadd.s32 $0x8F2B, s0  }
0xc9: {  	[sflag:s0] =	ssyncadd.remote.s32 $0x1  }
0xca: {  	_ =	sfence.sel $0xFFFF  }
0xcb: {  	[dreg:$0x0] =	wrdreg $0xFFFFFFFF;
	(pc) =	sbr.abs _section_cstart, $3  }
0xcc: {  	[dreg:$0x1] =	wrdreg $0xFFFFFFFF  }
0xcd: {  	_ =	task.clear_ibuf [dreg:s13], $0x2FFFF;
	_ =	strace $0x9FFFFFFF  }
0xce: {  	(tm) =	ssettm $0x7FFFFFFF  }
0xcf: {  	_ =	shalt  }
tec
execute0_lowered:
.L_overlay_start_1:
0x0: {  	(tag) =	ssettag $0x1  }
0x1: {  	s0 =	rddreg [dreg:$0x0]  }
0x2: {  	s6 =	rddreg [dreg:$0x1]  }
0x3: {  	s1 =	rddreg [dreg:$0x2]  }
0x4: {  	s2 =	rddreg [dreg:$0x3]  }
0x5: {  	s3 =	rddreg [dreg:$0x4]  }
0x6: {  	s4 =	rddreg [dreg:$0x5]  }
0x7: {  	s7 =	rddreg [dreg:$0x6]  }
0x8: {  	s8 =	rddreg [dreg:$0x7];
	s5 =	simm.s32 $0x0  }
0x9: {  	s9 =	srdreg.scid;
	s12 =	stileid.u32;
	s15 =	simm.s32 $0x80  }
0xa: {  	s14 =	simm.s32 $0x3;
	s20 =	simm.s32 $0x4;
	s29 =	simm.s32 $0x7  }
0xb: {  	s30 =	simm.s32 $0x8;
	s31 =	simm.s32 $0x9;
	s16 =	simm.s32 $0xA  }
0xc: {  	s17 =	simm.s32 $0xB;
	s18 =	simm.s32 $0xC;
	s19 =	simm.s32 $0x0  }
0xd: {  	[smem:$0x7FF] =	sst s5;
	s9 =	sand.u32 $0x1, s9;
	s12 =	sshll.u32 s12, $0x7  }
0xe: {  	s7 =	sadd.s32 $0x400, s7;
	s10 =	ssub.s32 $0x2, s9;
	s9 =	sshll.u32 s9, $0x6  }
0xf: {  	_ =	strace $0x80000047;
	[dreg:$0x9] =	wrdreg s7;
	s9 =	sor.u32 s9, s12  }
0x10: {  	s11 =	sshrl.u32 s10, $0x1;
	s12 =	simm.s32 $0xD;
	s0 =	sadd.s32 s0, s9  }
0x11: {  	s24 =	ssub.s32 s10, s11;
	s25 =	sadd.s32 s6, s9;
	[dreg:$0xa] =	wrdreg s0  }
0x12: {  	s26 =	sadd.s32 s8, s9;
	s6 =	simm.s32 $0x2;
	[dreg:$0xb] =	wrdreg s25  }
0x13: {  	[dreg:$0xc] =	wrdreg s26;
	s28 =	smax.u32 s24, $0x1;
	s0 =	simm.s32 $0x1  }
0x14: {  	v0 =	vlaneseq.u32;
	s24 =	simm.s32 $0x5;
	s26 =	simm.s32 $0x6;
	[dreg:$0xd] =	wrdreg s28  }
.LBB2_1:
0x15: {  	s7 =	rddreg [dreg:$0xa]  }
0x16: {  	[tilespmem:s5], [sflag:$0xD] =	stream.linear.gather [hbm4b:s7+s5], $0x200, $0x38;
	[tilespmem:$0x18980] =	vst v63  }
0x17: {  	_ =	swait.ge [sflag:s12], $0x200  }
0x18: {  	[sflag:s12] =	ssyncset.done $0x0  }
0x19: {  	s8 =	simm.s32 $0x200;
	s23 =	rddreg [dreg:$0xb];
	[sflag:s12] =	ssyncadd.s32 $0xFFFFFE00  }
0x1a: {  	[tilespmem:s8], [sflag:$0xD] =	stream.linear.gather [hbm4b:s23+s5], $0x200, $0x38;
	[tilespmem:$0x18980] =	vst v63  }
0x1b: {  	_ =	swait.ge [sflag:s12], $0x200  }
0x1c: {  	[sflag:s12] =	ssyncset.done $0x0  }
0x1d: {  	s9 =	simm.s32 $0x18900;
	s25 =	rddreg [dreg:$0x9];
	[sflag:s12] =	ssyncadd.s32 $0xFFFFFE00  }
0x1e: {  	[tilespmem:s9], [sflag:$0xD] =	stream.linear.gather [hbm4b:s25+s5], $0x80, $0x38;
	[tilespmem:$0x18980] =	vst v63  }
0x1f: {  	_ =	swait.ge [sflag:s12], $0x80  }
0x20: {  	[sflag:s12] =	ssyncset.done $0x0  }
0x21: {  	s10 =	simm.s32 $0x400;
	[sflag:s12] =	ssyncadd.s32 $0xFFFFFF80  }
0x22: {  	v1 =	vld [tilespmem:$0x18900];
	[tilespmem:s10], [sflag:$0x1] =	stream.indirect.gather [hbm4b:s1+s15], $0x80, s5, s15, $0xb8  }
0x23: {  	s11 =	simm.s32 $0x4400  }
0x24: {  	[tilespmem:s11], [sflag:$0x2] =	stream.indirect.gather [hbm4b:s2+s15], $0x80, s8, s15, $0xb8;
	[tilespmem:$0x18980] =	vst v63  }
0x25: {  	s13 =	simm.s32 $0x18400  }
0x26: {  	[tilespmem:s13], [sflag:$0x3] =	stream.indirect.gather [hbm4b:s3+s15], $0x1, s5, s15, $0xb8;
	[tilespmem:$0x18980] =	vst v63  }
0x27: {  	s21 =	simm.s32 $0x18480  }
0x28: {  	[tilespmem:s21], [sflag:$0x4] =	stream.indirect.gather [hbm4b:s4+s15], $0x1, s8, s15, $0xb8;
	[tilespmem:$0x18980] =	vst v63  }
0x29: {  	s22 =	simm.s32 $0x8400  }
0x2a: {  	[tilespmem:s22], [sflag:$0x5] =	stream.indirect.gather [hbm4b:s1+s15], $0x80, s15, s15, $0xb8;
	[tilespmem:$0x18980] =	vst v63  }
0x2b: {  	s23 =	simm.s32 $0x280;
	s25 =	simm.s32 $0xC400  }
0x2c: {  	[tilespmem:s25], [sflag:$0x6] =	stream.indirect.gather [hbm4b:s2+s15], $0x80, s23, s15, $0xb8;
	[tilespmem:$0x18980] =	vst v63  }
0x2d: {  	s9 =	simm.s32 $0x18500  }
0x2e: {  	[tilespmem:s9], [sflag:$0x7] =	stream.indirect.gather [hbm4b:s3+s15], $0x1, s15, s15, $0xb8;
	[tilespmem:$0x18980] =	vst v63  }
0x2f: {  	s10 =	simm.s32 $0x18580  }
0x30: {  	[tilespmem:s10], [sflag:$0x8] =	stream.indirect.gather [hbm4b:s4+s15], $0x1, s23, s15, $0xb8;
	[tilespmem:$0x18980] =	vst v63  }
0x31: {  	s11 =	simm.s32 $0x100;
	s13 =	simm.s32 $0x10400  }
0x32: {  	[tilespmem:s13], [sflag:$0x9] =	stream.indirect.gather [hbm4b:s1+s15], $0x80, s11, s15, $0xb8;
	[tilespmem:$0x18980] =	vst v63  }
0x33: {  	s21 =	simm.s32 $0x300;
	s22 =	simm.s32 $0x14400  }
0x34: {  	[tilespmem:s22], [sflag:$0xA] =	stream.indirect.gather [hbm4b:s2+s15], $0x80, s21, s15, $0xb8;
	[tilespmem:$0x18980] =	vst v63  }
0x35: {  	s23 =	simm.s32 $0x18600  }
0x36: {  	[tilespmem:s23], [sflag:$0xB] =	stream.indirect.gather [hbm4b:s3+s15], $0x1, s11, s15, $0xb8;
	[tilespmem:$0x18980] =	vst v63  }
0x37: {  	s25 =	simm.s32 $0x18680  }
0x38: {  	[tilespmem:s25], [sflag:$0xC] =	stream.indirect.gather [hbm4b:s4+s15], $0x1, s21, s15, $0xb8;
	[tilespmem:$0x18980] =	vst v63  }
0x39: {  	_ =	swait.ge [sflag:s0], $0x4000  }
0x3a: {  	[sflag:s0] =	ssyncset.done $0x0  }
0x3b: {  	[sflag:s0] =	ssyncadd.s32 $0xFFFFC000  }
0x3c: {  	_ =	swait.ge [sflag:s6], $0x4000  }
0x3d: {  	[sflag:s6] =	ssyncset.done $0x0  }
0x3e: {  	[sflag:s6] =	ssyncadd.s32 $0xFFFFC000  }
0x3f: {  	_ =	swait.ge [sflag:s14], $0x80  }
0x40: {  	[sflag:s14] =	ssyncset.done $0x0  }
0x41: {  	[sflag:s14] =	ssyncadd.s32 $0xFFFFFF80  }
0x42: {  	_ =	swait.ge [sflag:s20], $0x80  }
0x43: {  	s28 =	simm.s32 $0x0;
	[sflag:s20] =	ssyncset.done $0x0  }
0x44: {  	s21 =	simm.s32 $0x4500;
	s25 =	simm.s32 $0x500;
	[sflag:s20] =	ssyncadd.s32 $0xFFFFFF80  }
.LBB2_2:
0x45: {  	v4 =	vld [tilespmem:s25+$0x70]  }
0x46: {  	v22 =	vld [tilespmem:s21+$0x70]  }
0x47: {  	v13 =	vld [tilespmem:s25+$0xFFFFFFF0]  }
0x48: {  	v25 =	vld [tilespmem:s21+$0xFFFFFFF0]  }
0x49: {  	v2 =	vld [tilespmem:s25+$0xE0]  }
0x4a: {  	v3 =	vld [tilespmem:s25+$0xFFFFFF70]  }
0x4b: {  	v31 =	vld [tilespmem:s25+$0x60]  }
0x4c: {  	v46 =	vld [tilespmem:s21+$0x60]  }
0x4d: {  	v47 =	vld [tilespmem:s25+$0xFFFFFFE0]  }
0x4e: {  	v48 =	vld [tilespmem:s21+$0xFFFFFFE0]  }
0x4f: {  	v5 =	vld [tilespmem:s25+$0xD0]  }
0x50: {  	v6 =	vld [tilespmem:s25+$0xFFFFFF60]  }
0x51: {  	v16 =	vld [tilespmem:s25+$0x50]  }
0x52: {  	v19 =	vld [tilespmem:s21+$0x50]  }
0x53: {  	v14 =	vld [tilespmem:s25+$0xFFFFFFD0]  }
0x54: {  	v15 =	vld [tilespmem:s21+$0xFFFFFFD0]  }
0x55: {  	v7 =	vld [tilespmem:s25+$0xC0]  }
0x56: {  	v8 =	vld [tilespmem:s25+$0xFFFFFF50]  }
0x57: {  	v18 =	vld [tilespmem:s25+$0x40]  }
0x58: {  	v20 =	vld [tilespmem:s21+$0x40]  }
0x59: {  	v11 =	vld [tilespmem:s25+$0xFFFFFFC0]  }
0x5a: {  	v17 =	vld [tilespmem:s21+$0xFFFFFFC0]  }
0x5b: {  	v9 =	vld [tilespmem:s25+$0xB0]  }
0x5c: {  	v10 =	vld [tilespmem:s25+$0xFFFFFF40]  }
0x5d: {  	v29 =	vld [tilespmem:s25+$0x30]  }
0x5e: {  	v30 =	vld [tilespmem:s21+$0x30]  }
0x5f: {  	v23 =	vld [tilespmem:s25+$0xFFFFFFB0]  }
0x60: {  	v24 =	vld [tilespmem:s21+$0xFFFFFFB0]  }
0x61: {  	v12 =	vld [tilespmem:s25+$0xA0]  }
0x62: {  	v21 =	vld [tilespmem:s25+$0xFFFFFF30]  }
0x63: {  	v34 =	vld [tilespmem:s25+$0x20]  }
0x64: {  	v35 =	vld [tilespmem:s21+$0x20]  }
0x65: {  	v32 =	vld [tilespmem:s25+$0xFFFFFFA0]  }
0x66: {  	v33 =	vld [tilespmem:s21+$0xFFFFFFA0]  }
0x67: {  	v26 =	vld [tilespmem:s25+$0x80]  }
0x68: {  	v27 =	vld [tilespmem:s21+$0x80]  }
0x69: {  	v28 =	vld [tilespmem:s25+$0x90]  }
0x6a: {  	v43 =	vld [tilespmem:s25+$0x0]  }
0x6b: {  	v44 =	vld [tilespmem:s21+$0x0]  }
0x6c: {  	v45 =	vld [tilespmem:s25+$0x10]  }
0x6d: {  	v49 =	vld [tilespmem:s21+$0x10]  }
0x6e: {  	v39 =	vld [tilespmem:s25+$0xFFFFFF80]  }
0x6f: {  	v40 =	vld [tilespmem:s21+$0xFFFFFF80]  }
0x70: {  	v41 =	vld [tilespmem:s25+$0xFFFFFF90]  }
0x71: {  	v42 =	vld [tilespmem:s21+$0xFFFFFF90]  }
0x72: {  	v36 =	vld [tilespmem:s25+$0xFFFFFF00]  }
0x73: {  	v37 =	vld [tilespmem:s21+$0xFFFFFF00];
	v13 =	vmul.f32 v25, v13;
	v22 =	vmul.f32 v22, v4  }
0x74: {  	v38 =	vld [tilespmem:s25+$0xFFFFFF10];
	s7 =	sshll.u32 s28, $0x4;
	s8 =	simm.s32 $0x0;
	v44 =	vmul.f32 v44, v43;
	v45 =	vmul.f32 v49, v45  }
0x75: {  	s23 =	simm.s32 $0x4;
	s9 =	smov.u32 s25;
	s22 =	smov.u32 s21;
	v4 =	vimm.f32 $0.0e+00;
	v43 =	vld [tilespmem:s21+$0xFFFFFF10];
	v25 =	vmul.f32 v48, v47;
	v31 =	vmul.f32 v46, v31  }
.LBB2_3:
0x76: {  	p0 =	slt.u32 s23, $0xC;
	v46 =	vld [tilespmem:s9+$0xFFFFFF20];
	v44 =	vadd.f32 v45, v44;
	v34 =	vmul.f32 v35, v34;
	v16 =	vmul.f32 v19, v16  }
0x77: {  	v35 =	vmul.f32 v40, v39;
	v39 =	vmul.f32 v42, v41;
	v19 =	vld [tilespmem:s22+$0xFFFFFF20]  }
0x78: {  	v14 =	vmul.f32 v15, v14;
	v29 =	vmul.f32 v30, v29;
	v15 =	vadd.f32 v34, v44;
	v30 =	vld [tilespmem:s22+$0x90]  }
0x79: {  	v32 =	vmul.f32 v33, v32;
	v18 =	vmul.f32 v20, v18;
	v35 =	vadd.f32 v39, v35;
	v34 =	vld [tilespmem:s22+$0xFFFFFF30]  }
0x7a: {  	v20 =	vmul.f32 v37, v36;
	v33 =	vmul.f32 v43, v38;
	v15 =	vadd.f32 v29, v15;
	v29 =	vld [tilespmem:s22+$0xA0]  }
0x7b: {  	v23 =	vmul.f32 v24, v23;
	v11 =	vmul.f32 v17, v11;
	v32 =	vadd.f32 v32, v35;
	v36 =	vld [tilespmem:s22+$0xFFFFFF40]  }
0x7c: {  	v17 =	vadd.f32 v33, v20;
	v19 =	vmul.f32 v19, v46;
	v15 =	vadd.f32 v18, v15;
	v18 =	vld [tilespmem:s22+$0xB0]  }
0x7d: {  	v24 =	vmul.f32 v27, v26;
	v23 =	vadd.f32 v23, v32;
	v20 =	vld [tilespmem:s22+$0xFFFFFF50];
	v26 =	vmul.f32 v30, v28  }
0x7e: {  	v17 =	vadd.f32 v19, v17;
	v19 =	vmul.f32 v34, v21;
	v15 =	vadd.f32 v16, v15;
	v16 =	vld [tilespmem:s22+$0xC0]  }
0x7f: {  	v11 =	vadd.f32 v11, v23;
	v21 =	vld [tilespmem:s22+$0xFFFFFF60];
	v23 =	vadd.f32 v26, v24;
	v12 =	vmul.f32 v29, v12  }
0x80: {  	v17 =	vadd.f32 v19, v17;
	v10 =	vmul.f32 v36, v10;
	v15 =	vadd.f32 v31, v15;
	v19 =	vld [tilespmem:s22+$0xD0]  }
0x81: {  	v11 =	vadd.f32 v14, v11;
	v24 =	vld [tilespmem:s22+$0xFFFFFF70];
	v12 =	vadd.f32 v12, v23;
	v9 =	vmul.f32 v18, v9  }
0x82: {  	v10 =	vadd.f32 v10, v17;
	v8 =	vmul.f32 v20, v8;
	v14 =	vadd.f32 v22, v15;
	v15 =	vld [tilespmem:s22+$0xE0]  }
0x83: {  	v11 =	vadd.f32 v25, v11;
	v9 =	vadd.f32 v9, v12;
	v7 =	vmul.f32 v16, v7;
	v12 =	vld [tilespmem:s9+$0xF0]  }
0x84: {  	s9 =	sadd.s32 $0x200, s9;
	v8 =	vadd.f32 v8, v10;
	v6 =	vmul.f32 v21, v6;
	v10 =	vld [tilespmem:s22+$0xF0];
	(xrf2) =	vadd.scan.msk.f32 $0xffff, v14  }
0x85: {  	v11 =	vadd.f32 v13, v11;
	s22 =	sadd.s32 $0x200, s22;
	v22 =	vld [tilespmem:s9+$0x70];
	v7 =	vadd.f32 v7, v9;
	v5 =	vmul.f32 v19, v5  }
0x86: {  	v25 =	vld [tilespmem:s22+$0x70];
	v6 =	vadd.f32 v6, v8;
	v3 =	vmul.f32 v24, v3  }
0x87: {  	v13 =	vld [tilespmem:s9+$0xFFFFFFF0];
	v5 =	vadd.f32 v5, v7;
	v7 =	vmul.f32 v15, v2;
	(xrf2) =	vadd.scan.msk.f32 $0xffff, v11  }
0x88: {  	v31 =	vld [tilespmem:s22+$0xFFFFFFF0];
	v6 =	vadd.f32 v3, v6  }
0x89: {  	v2 =	vld [tilespmem:s9+$0xE0];
	v5 =	vadd.f32 v7, v5;
	v7 =	vmul.f32 v10, v12  }
0x8a: {  	v3 =	vld [tilespmem:s9+$0xFFFFFF70];
	(xrf2) =	vadd.scan.msk.f32 $0xffff, v6  }
0x8b: {  	v46 =	vld [tilespmem:s9+$0x60];
	v5 =	vadd.f32 v7, v5  }
0x8c: {  	v47 =	vld [tilespmem:s22+$0x60]  }
0x8d: {  	v48 =	vld [tilespmem:s9+$0xFFFFFFE0];
	(xrf2) =	vadd.scan.msk.f32 $0xffff, v5  }
0x8e: {  	v49 =	vld [tilespmem:s22+$0xFFFFFFE0];
	v9, _, _ =	vpop (xrf2)  }
0x8f: {  	v5 =	vld [tilespmem:s9+$0xD0]  }
0x90: {  	v6 =	vld [tilespmem:s9+$0xFFFFFF60]  }
0x91: {  	v16 =	vld [tilespmem:s9+$0x50];
	v10, _, _ =	vpop (xrf2)  }
0x92: {  	v19 =	vld [tilespmem:s22+$0x50]  }
0x93: {  	v14 =	vld [tilespmem:s9+$0xFFFFFFD0]  }
0x94: {  	s10 =	sadd.s32 $0x2, s8;
	s11 =	sadd.s32 $0x3, s8;
	v11 =	vmov s8;
	v15 =	vld [tilespmem:s22+$0xFFFFFFD0];
	v8, _, _ =	vpop (xrf2)  }
0x95: {  	s13 =	sadd.s32 $0x1, s8;
	v17 =	vmov s10;
	v21 =	vmov s11;
	s8 =	smov.u32 s23;
	v7 =	vld [tilespmem:s9+$0xC0];
	v12 =	vbroadcast v8, $0xF  }
0x96: {  	v20 =	vmov s13;
	vm0 =	veq.s32 v11, v0;
	v10 =	vbroadcast v10, $0xF;
	v8 =	vld [tilespmem:s9+$0xFFFFFF50]  }
0x97: {  	v9 =	vbroadcast v9, $0xF;
	v18 =	vld [tilespmem:s9+$0x40];
	v4 =	vsel vm0, v12, v4;
	vm0 =	veq.s32 v20, v0;
	v11, _, _ =	vpop (xrf2)  }
0x98: {  	v20 =	vld [tilespmem:s22+$0x40];
	v4 =	vsel vm0, v10, v4;
	vm0 =	veq.s32 v17, v0;
	v10 =	vbroadcast v11, $0xF  }
0x99: {  	v11 =	vld [tilespmem:s9+$0xFFFFFFC0];
	v4 =	vsel vm0, v9, v4;
	vm0 =	veq.s32 v21, v0  }
0x9a: {  	v17 =	vld [tilespmem:s22+$0xFFFFFFC0];
	v4 =	vsel vm0, v10, v4  }
0x9b: {  	v9 =	vld [tilespmem:s9+$0xB0]  }
0x9c: {  	v10 =	vld [tilespmem:s9+$0xFFFFFF40]  }
0x9d: {  	v29 =	vld [tilespmem:s9+$0x30]  }
0x9e: {  	v30 =	vld [tilespmem:s22+$0x30]  }
0x9f: {  	v23 =	vld [tilespmem:s9+$0xFFFFFFB0]  }
0xa0: {  	v24 =	vld [tilespmem:s22+$0xFFFFFFB0]  }
0xa1: {  	v12 =	vld [tilespmem:s9+$0xA0]  }
0xa2: {  	v21 =	vld [tilespmem:s9+$0xFFFFFF30]  }
0xa3: {  	v34 =	vld [tilespmem:s9+$0x20]  }
0xa4: {  	v35 =	vld [tilespmem:s22+$0x20]  }
0xa5: {  	v32 =	vld [tilespmem:s9+$0xFFFFFFA0]  }
0xa6: {  	v33 =	vld [tilespmem:s22+$0xFFFFFFA0]  }
0xa7: {  	v26 =	vld [tilespmem:s9+$0x80]  }
0xa8: {  	v27 =	vld [tilespmem:s22+$0x80]  }
0xa9: {  	v28 =	vld [tilespmem:s9+$0x90]  }
0xaa: {  	v43 =	vld [tilespmem:s9+$0x0]  }
0xab: {  	v44 =	vld [tilespmem:s22+$0x0]  }
0xac: {  	v45 =	vld [tilespmem:s9+$0x10]  }
0xad: {  	v50 =	vld [tilespmem:s22+$0x10]  }
0xae: {  	v39 =	vld [tilespmem:s9+$0xFFFFFF80]  }
0xaf: {  	v40 =	vld [tilespmem:s22+$0xFFFFFF80]  }
0xb0: {  	v41 =	vld [tilespmem:s9+$0xFFFFFF90]  }
.Ltmp0:
0xb1: {  	v42 =	vld [tilespmem:s22+$0xFFFFFF90];
	(pc) =	sbr.rel @p0 .LBB2_3-.Ltmp0, $4  }
0xb2: {  	v36 =	vld [tilespmem:s9+$0xFFFFFF00]  }
0xb3: {  	v22 =	vmul.f32 v25, v22;
	v13 =	vmul.f32 v31, v13;
	v37 =	vld [tilespmem:s22+$0xFFFFFF00]  }
0xb4: {  	v44 =	vmul.f32 v44, v43;
	v45 =	vmul.f32 v50, v45;
	v38 =	vld [tilespmem:s9+$0xFFFFFF10]  }
0xb5: {  	s23 =	sadd.s32 $0x4, s23;
	v31 =	vmul.f32 v47, v46;
	v25 =	vmul.f32 v49, v48;
	v43 =	vld [tilespmem:s22+$0xFFFFFF10]  }
0xb6: {  	v46 =	vld [tilespmem:s9+$0xFFFFFF20];
	v34 =	vmul.f32 v35, v34;
	v16 =	vmul.f32 v19, v16  }
0xb7: {  	v53 =	vld [tilespmem:s22+$0xFFFFFF20];
	v54 =	vmul.f32 v40, v39;
	v55 =	vmul.f32 v42, v41  }
0xb8: {  	v56 =	vld [tilespmem:s22+$0x90];
	v14 =	vmul.f32 v15, v14;
	v29 =	vmul.f32 v30, v29  }
0xb9: {  	v58 =	vld [tilespmem:s22+$0xFFFFFF30];
	v32 =	vmul.f32 v33, v32;
	v18 =	vmul.f32 v20, v18  }
0xba: {  	v44 =	vadd.f32 v45, v44;
	v62 =	vld [tilespmem:s22+$0xA0];
	v60 =	vmul.f32 v37, v36;
	v61 =	vmul.f32 v43, v38  }
0xbb: {  	v63 =	vld [tilespmem:s22+$0xFFFFFF40];
	v23 =	vmul.f32 v24, v23;
	v26 =	vmul.f32 v27, v26;
	v59 =	vadd.f32 v55, v54  }
0xbc: {  	v57 =	vadd.f32 v34, v44;
	v38 =	vld [tilespmem:s22+$0xB0];
	v19 =	vmul.f32 v53, v46;
	v36 =	vadd.f32 v61, v60  }
0xbd: {  	v39 =	vld [tilespmem:s22+$0xFFFFFF50];
	v11 =	vmul.f32 v17, v11;
	v32 =	vadd.f32 v32, v59;
	v41 =	vmul.f32 v56, v28  }
0xbe: {  	v44 =	vld [tilespmem:s22+$0xC0];
	v15 =	vadd.f32 v29, v57;
	v43 =	vmul.f32 v58, v21;
	v42 =	vadd.f32 v19, v36  }
0xbf: {  	v45 =	vld [tilespmem:s22+$0xFFFFFF60];
	v12 =	vmul.f32 v62, v12;
	v23 =	vadd.f32 v23, v32;
	v26 =	vadd.f32 v41, v26  }
0xc0: {  	v10 =	vmul.f32 v63, v10;
	v46 =	vld [tilespmem:s22+$0xD0];
	v15 =	vadd.f32 v18, v15;
	v17 =	vadd.f32 v43, v42  }
0xc1: {  	v47 =	vld [tilespmem:s22+$0xFFFFFF70];
	v11 =	vadd.f32 v11, v23;
	v12 =	vadd.f32 v12, v26;
	v9 =	vmul.f32 v38, v9  }
0xc2: {  	v48 =	vld [tilespmem:s22+$0xE0];
	v8 =	vmul.f32 v39, v8;
	v15 =	vadd.f32 v16, v15;
	v10 =	vadd.f32 v10, v17  }
0xc3: {  	v49 =	vld [tilespmem:s9+$0xF0];
	v7 =	vmul.f32 v44, v7;
	v11 =	vadd.f32 v14, v11;
	v9 =	vadd.f32 v9, v12  }
0xc4: {  	v51 =	vld [tilespmem:s22+$0xF0];
	v6 =	vmul.f32 v45, v6;
	v50 =	vadd.f32 v31, v15;
	v8 =	vadd.f32 v8, v10  }
0xc5: {  	v5 =	vmul.f32 v46, v5;
	v11 =	vadd.f32 v25, v11;
	v7 =	vadd.f32 v7, v9  }
0xc6: {  	v3 =	vmul.f32 v47, v3;
	v52 =	vadd.f32 v22, v50;
	v6 =	vadd.f32 v6, v8  }
0xc7: {  	v2 =	vmul.f32 v48, v2;
	v53 =	vadd.f32 v13, v11;
	v5 =	vadd.f32 v5, v7  }
0xc8: {  	(xrf2) =	vadd.scan.msk.f32 $0xffff, v52;
	v3 =	vadd.f32 v3, v6  }
0xc9: {  	v54 =	vmul.f32 v51, v49;
	(xrf2) =	vadd.scan.msk.f32 $0xffff, v53;
	v2 =	vadd.f32 v2, v5  }
0xca: {  	(xrf2) =	vadd.scan.msk.f32 $0xffff, v3  }
0xcb: {  	v2 =	vadd.f32 v54, v2;
	_ =	sdelay $0x1  }
0xcc: {  	(xrf2) =	vadd.scan.msk.f32 $0xffff, v2;
	_ =	sdelay $0x4  }
0xcd: {  	v2, _, _ =	vpop (xrf2)  }
0xce: {  	v3, _, _ =	vpop (xrf2)  }
0xcf: {  	s23 =	sadd.s32 $0x1, s8;
	v55 =	vmov s8;
	v56, _, _ =	vpop (xrf2)  }
0xd0: {  	s10 =	sadd.s32 $0x3, s8;
	vm0 =	veq.s32 v55, v0;
	v59 =	vmov s23;
	v6 =	vbroadcast v56, $0xF  }
0xd1: {  	s22 =	sadd.s32 $0x2, s8;
	v58 =	vmov s10;
	vm13 =	veq.s32 v59, v0;
	v60 =	vld [tilespmem:s7+$0x18400];
	v3 =	vbroadcast v3, $0xF  }
0xd2: {  	v57 =	vmov s22;
	v2 =	vbroadcast v2, $0xF;
	v61, _, _ =	vpop (xrf2);
	v4 =	vsel vm0, v6, v4  }
0xd3: {  	v63 =	vld [tilespmem:s7+$0x18480];
	vm14 =	veq.s32 v57, v0;
	v62 =	vbroadcast v61, $0xF;
	v3 =	vsel vm13, v3, v4  }
0xd4: {  	vm15 =	veq.s32 v58, v0;
	v2 =	vsel vm14, v2, v3  }
0xd5: {  	v2 =	vsel vm15, v62, v2  }
0xd6: {  	v2 =	vadd.f32 v60, v2;
	_ =	sdelay $0x1  }
0xd7: {  	v2 =	vadd.f32 v63, v2;
	_ =	sdelay $0x1  }
0xd8: {  	v2 =	vadd.f32 v2, v1;
	_ =	sdelay $0x1  }
0xd9: {  	v2 =	vsub.f32 $0.0e+00, v2;
	_ =	sdelay $0x1  }
0xda: {  	v2 =	vmul.f32 $1.442695020e+00, v2;
	_ =	sdelay $0x1  }
0xdb: {  	(erf) = vpow2.f32 v2;
	_ =	sdelay $0x8  }
0xdc: {  	v2 =	vpop (erf)  }
0xdd: {  	v2 =	vadd.f32 $1.000000000e+00, v2;
	_ =	sdelay $0x1  }
0xde: {  	(erf) = vrcp.f32 v2;
	_ =	sdelay $0x7  }
0xdf: {  	s28 =	sadd.s32 $0x1, s28  }
0xe0: {  	p0 =	sne.s32 s28, $0x8;
	v2 =	vpop (erf)  }
.Ltmp1:
0xe1: {  	v2 =	vmul.f32 $4.000000000e+00, v2;
	(pc) =	sbr.rel @p0 .LBB2_2-.Ltmp1, $3  }
0xe2: {  	_ = 	snop  }
0xe3: {  	v2 =	vadd.f32 $1.000000000e+00, v2;
	_ =	sdelay $0x1  }
0xe4: {  	s21 =	sadd.s32 $0x800, s21;
	s25 =	sadd.s32 $0x800, s25;
	[tilespmem:s7+$0x18700] =	vst v2  }
0xe5: {  	s7 =	simm.s32 $0x400;
	s8 =	simm.s32 $0x180  }
0xe6: {  	[tilespmem:s7], [sflag:$0x1] =	stream.indirect.gather [hbm4b:s1+s15], $0x80, s8, s15, $0xb8;
	[tilespmem:$0x18980] =	vst v63  }
0xe7: {  	s23 =	simm.s32 $0x4400;
	s9 =	simm.s32 $0x380  }
0xe8: {  	[tilespmem:s23], [sflag:$0x2] =	stream.indirect.gather [hbm4b:s2+s15], $0x80, s9, s15, $0xb8;
	[tilespmem:$0x18980] =	vst v63  }
0xe9: {  	s25 =	simm.s32 $0x18400  }
0xea: {  	[tilespmem:s25], [sflag:$0x3] =	stream.indirect.gather [hbm4b:s3+s15], $0x1, s8, s15, $0xb8;
	[tilespmem:$0x18980] =	vst v63  }
0xeb: {  	s28 =	simm.s32 $0x18480  }
0xec: {  	[tilespmem:s28], [sflag:$0x4] =	stream.indirect.gather [hbm4b:s4+s15], $0x1, s9, s15, $0xb8;
	[tilespmem:$0x18980] =	vst v63  }
0xed: {  	_ =	swait.ge [sflag:s24], $0x4000  }
0xee: {  	[sflag:s24] =	ssyncset.done $0x0  }
0xef: {  	[sflag:s24] =	ssyncadd.s32 $0xFFFFC000  }
0xf0: {  	_ =	swait.ge [sflag:s26], $0x4000  }
0xf1: {  	[sflag:s26] =	ssyncset.done $0x0  }
0xf2: {  	[sflag:s26] =	ssyncadd.s32 $0xFFFFC000  }
0xf3: {  	_ =	swait.ge [sflag:s29], $0x80  }
0xf4: {  	[sflag:s29] =	ssyncset.done $0x0  }
0xf5: {  	[sflag:s29] =	ssyncadd.s32 $0xFFFFFF80  }
0xf6: {  	_ =	swait.ge [sflag:s30], $0x80  }
0xf7: {  	s21 =	simm.s32 $0x0;
	[sflag:s30] =	ssyncset.done $0x0  }
0xf8: {  	s22 =	simm.s32 $0xC500;
	s9 =	simm.s32 $0x8500;
	[sflag:s30] =	ssyncadd.s32 $0xFFFFFF80  }
.LBB2_6:
0xf9: {  	v4 =	vld [tilespmem:s9+$0x70]  }
0xfa: {  	v22 =	vld [tilespmem:s22+$0x70]  }
0xfb: {  	v13 =	vld [tilespmem:s9+$0xFFFFFFF0]  }
0xfc: {  	v25 =	vld [tilespmem:s22+$0xFFFFFFF0]  }
0xfd: {  	v2 =	vld [tilespmem:s9+$0xE0]  }
0xfe: {  	v3 =	vld [tilespmem:s9+$0xFFFFFF70]  }
0xff: {  	v31 =	vld [tilespmem:s9+$0x60]  }
0x100: {  	v46 =	vld [tilespmem:s22+$0x60]  }
0x101: {  	v47 =	vld [tilespmem:s9+$0xFFFFFFE0]  }
0x102: {  	v48 =	vld [tilespmem:s22+$0xFFFFFFE0]  }
0x103: {  	v5 =	vld [tilespmem:s9+$0xD0]  }
0x104: {  	v6 =	vld [tilespmem:s9+$0xFFFFFF60]  }
0x105: {  	v16 =	vld [tilespmem:s9+$0x50]  }
0x106: {  	v19 =	vld [tilespmem:s22+$0x50]  }
0x107: {  	v14 =	vld [tilespmem:s9+$0xFFFFFFD0]  }
0x108: {  	v15 =	vld [tilespmem:s22+$0xFFFFFFD0]  }
0x109: {  	v7 =	vld [tilespmem:s9+$0xC0]  }
0x10a: {  	v8 =	vld [tilespmem:s9+$0xFFFFFF50]  }
0x10b: {  	v18 =	vld [tilespmem:s9+$0x40]  }
0x10c: {  	v20 =	vld [tilespmem:s22+$0x40]  }
0x10d: {  	v11 =	vld [tilespmem:s9+$0xFFFFFFC0]  }
0x10e: {  	v17 =	vld [tilespmem:s22+$0xFFFFFFC0]  }
0x10f: {  	v9 =	vld [tilespmem:s9+$0xB0]  }
0x110: {  	v10 =	vld [tilespmem:s9+$0xFFFFFF40]  }
0x111: {  	v29 =	vld [tilespmem:s9+$0x30]  }
0x112: {  	v30 =	vld [tilespmem:s22+$0x30]  }
0x113: {  	v23 =	vld [tilespmem:s9+$0xFFFFFFB0]  }
0x114: {  	v24 =	vld [tilespmem:s22+$0xFFFFFFB0]  }
0x115: {  	v12 =	vld [tilespmem:s9+$0xA0]  }
0x116: {  	v21 =	vld [tilespmem:s9+$0xFFFFFF30]  }
0x117: {  	v34 =	vld [tilespmem:s9+$0x20]  }
0x118: {  	v35 =	vld [tilespmem:s22+$0x20]  }
0x119: {  	v32 =	vld [tilespmem:s9+$0xFFFFFFA0]  }
0x11a: {  	v33 =	vld [tilespmem:s22+$0xFFFFFFA0]  }
0x11b: {  	v26 =	vld [tilespmem:s9+$0x80]  }
0x11c: {  	v27 =	vld [tilespmem:s22+$0x80]  }
0x11d: {  	v28 =	vld [tilespmem:s9+$0x90]  }
0x11e: {  	v43 =	vld [tilespmem:s9+$0x0]  }
0x11f: {  	v44 =	vld [tilespmem:s22+$0x0]  }
0x120: {  	v45 =	vld [tilespmem:s9+$0x10]  }
0x121: {  	v49 =	vld [tilespmem:s22+$0x10]  }
0x122: {  	v39 =	vld [tilespmem:s9+$0xFFFFFF80]  }
0x123: {  	v40 =	vld [tilespmem:s22+$0xFFFFFF80]  }
0x124: {  	v41 =	vld [tilespmem:s9+$0xFFFFFF90]  }
0x125: {  	v42 =	vld [tilespmem:s22+$0xFFFFFF90]  }
0x126: {  	v36 =	vld [tilespmem:s9+$0xFFFFFF00]  }
0x127: {  	v37 =	vld [tilespmem:s22+$0xFFFFFF00];
	v13 =	vmul.f32 v25, v13;
	v22 =	vmul.f32 v22, v4  }
0x128: {  	v38 =	vld [tilespmem:s9+$0xFFFFFF10];
	s7 =	sshll.u32 s21, $0x4;
	s23 =	simm.s32 $0x4;
	v44 =	vmul.f32 v44, v43;
	v45 =	vmul.f32 v49, v45  }
0x129: {  	s28 =	smov.u32 s9;
	s25 =	smov.u32 s22;
	s8 =	simm.s32 $0x0;
	v4 =	vimm.f32 $0.0e+00;
	v43 =	vld [tilespmem:s22+$0xFFFFFF10];
	v25 =	vmul.f32 v48, v47;
	v31 =	vmul.f32 v46, v31  }
.LBB2_7:
0x12a: {  	p0 =	slt.u32 s23, $0xC;
	v46 =	vld [tilespmem:s28+$0xFFFFFF20];
	v44 =	vadd.f32 v45, v44;
	v34 =	vmul.f32 v35, v34;
	v16 =	vmul.f32 v19, v16  }
0x12b: {  	v35 =	vmul.f32 v40, v39;
	v39 =	vmul.f32 v42, v41;
	v19 =	vld [tilespmem:s25+$0xFFFFFF20]  }
0x12c: {  	v14 =	vmul.f32 v15, v14;
	v29 =	vmul.f32 v30, v29;
	v15 =	vadd.f32 v34, v44;
	v30 =	vld [tilespmem:s25+$0x90]  }
0x12d: {  	v32 =	vmul.f32 v33, v32;
	v18 =	vmul.f32 v20, v18;
	v35 =	vadd.f32 v39, v35;
	v34 =	vld [tilespmem:s25+$0xFFFFFF30]  }
0x12e: {  	v20 =	vmul.f32 v37, v36;
	v33 =	vmul.f32 v43, v38;
	v15 =	vadd.f32 v29, v15;
	v29 =	vld [tilespmem:s25+$0xA0]  }
0x12f: {  	v23 =	vmul.f32 v24, v23;
	v11 =	vmul.f32 v17, v11;
	v32 =	vadd.f32 v32, v35;
	v36 =	vld [tilespmem:s25+$0xFFFFFF40]  }
0x130: {  	v17 =	vadd.f32 v33, v20;
	v19 =	vmul.f32 v19, v46;
	v15 =	vadd.f32 v18, v15;
	v18 =	vld [tilespmem:s25+$0xB0]  }
0x131: {  	v24 =	vmul.f32 v27, v26;
	v23 =	vadd.f32 v23, v32;
	v20 =	vld [tilespmem:s25+$0xFFFFFF50];
	v26 =	vmul.f32 v30, v28  }
0x132: {  	v17 =	vadd.f32 v19, v17;
	v19 =	vmul.f32 v34, v21;
	v15 =	vadd.f32 v16, v15;
	v16 =	vld [tilespmem:s25+$0xC0]  }
0x133: {  	v11 =	vadd.f32 v11, v23;
	v21 =	vld [tilespmem:s25+$0xFFFFFF60];
	v23 =	vadd.f32 v26, v24;
	v12 =	vmul.f32 v29, v12  }
0x134: {  	v17 =	vadd.f32 v19, v17;
	v10 =	vmul.f32 v36, v10;
	v15 =	vadd.f32 v31, v15;
	v19 =	vld [tilespmem:s25+$0xD0]  }
0x135: {  	v11 =	vadd.f32 v14, v11;
	v24 =	vld [tilespmem:s25+$0xFFFFFF70];
	v12 =	vadd.f32 v12, v23;
	v9 =	vmul.f32 v18, v9  }
0x136: {  	v10 =	vadd.f32 v10, v17;
	v8 =	vmul.f32 v20, v8;
	v14 =	vadd.f32 v22, v15;
	v15 =	vld [tilespmem:s25+$0xE0]  }
0x137: {  	v11 =	vadd.f32 v25, v11;
	v9 =	vadd.f32 v9, v12;
	v7 =	vmul.f32 v16, v7;
	v12 =	vld [tilespmem:s28+$0xF0]  }
0x138: {  	s28 =	sadd.s32 $0x200, s28;
	v8 =	vadd.f32 v8, v10;
	v6 =	vmul.f32 v21, v6;
	v10 =	vld [tilespmem:s25+$0xF0];
	(xrf2) =	vadd.scan.msk.f32 $0xffff, v14  }
0x139: {  	v11 =	vadd.f32 v13, v11;
	s25 =	sadd.s32 $0x200, s25;
	v22 =	vld [tilespmem:s28+$0x70];
	v7 =	vadd.f32 v7, v9;
	v5 =	vmul.f32 v19, v5  }
0x13a: {  	v25 =	vld [tilespmem:s25+$0x70];
	v6 =	vadd.f32 v6, v8;
	v3 =	vmul.f32 v24, v3  }
0x13b: {  	v13 =	vld [tilespmem:s28+$0xFFFFFFF0];
	v5 =	vadd.f32 v5, v7;
	v7 =	vmul.f32 v15, v2;
	(xrf2) =	vadd.scan.msk.f32 $0xffff, v11  }
0x13c: {  	v31 =	vld [tilespmem:s25+$0xFFFFFFF0];
	v6 =	vadd.f32 v3, v6  }
0x13d: {  	v2 =	vld [tilespmem:s28+$0xE0];
	v5 =	vadd.f32 v7, v5;
	v7 =	vmul.f32 v10, v12  }
0x13e: {  	v3 =	vld [tilespmem:s28+$0xFFFFFF70];
	(xrf2) =	vadd.scan.msk.f32 $0xffff, v6  }
0x13f: {  	v46 =	vld [tilespmem:s28+$0x60];
	v5 =	vadd.f32 v7, v5  }
0x140: {  	v47 =	vld [tilespmem:s25+$0x60]  }
0x141: {  	v48 =	vld [tilespmem:s28+$0xFFFFFFE0];
	(xrf2) =	vadd.scan.msk.f32 $0xffff, v5  }
0x142: {  	v49 =	vld [tilespmem:s25+$0xFFFFFFE0];
	v9, _, _ =	vpop (xrf2)  }
0x143: {  	v5 =	vld [tilespmem:s28+$0xD0]  }
0x144: {  	v6 =	vld [tilespmem:s28+$0xFFFFFF60]  }
0x145: {  	v16 =	vld [tilespmem:s28+$0x50];
	v10, _, _ =	vpop (xrf2)  }
0x146: {  	v19 =	vld [tilespmem:s25+$0x50]  }
0x147: {  	v14 =	vld [tilespmem:s28+$0xFFFFFFD0]  }
0x148: {  	s10 =	sadd.s32 $0x2, s8;
	s11 =	sadd.s32 $0x3, s8;
	v11 =	vmov s8;
	v15 =	vld [tilespmem:s25+$0xFFFFFFD0];
	v8, _, _ =	vpop (xrf2)  }
0x149: {  	s13 =	sadd.s32 $0x1, s8;
	v17 =	vmov s10;
	v21 =	vmov s11;
	s8 =	smov.u32 s23;
	v7 =	vld [tilespmem:s28+$0xC0];
	v12 =	vbroadcast v8, $0xF  }
0x14a: {  	v20 =	vmov s13;
	vm0 =	veq.s32 v11, v0;
	v10 =	vbroadcast v10, $0xF;
	v8 =	vld [tilespmem:s28+$0xFFFFFF50]  }
0x14b: {  	v9 =	vbroadcast v9, $0xF;
	v18 =	vld [tilespmem:s28+$0x40];
	v4 =	vsel vm0, v12, v4;
	vm0 =	veq.s32 v20, v0;
	v11, _, _ =	vpop (xrf2)  }
0x14c: {  	v20 =	vld [tilespmem:s25+$0x40];
	v4 =	vsel vm0, v10, v4;
	vm0 =	veq.s32 v17, v0;
	v10 =	vbroadcast v11, $0xF  }
0x14d: {  	v11 =	vld [tilespmem:s28+$0xFFFFFFC0];
	v4 =	vsel vm0, v9, v4;
	vm0 =	veq.s32 v21, v0  }
0x14e: {  	v17 =	vld [tilespmem:s25+$0xFFFFFFC0];
	v4 =	vsel vm0, v10, v4  }
0x14f: {  	v9 =	vld [tilespmem:s28+$0xB0]  }
0x150: {  	v10 =	vld [tilespmem:s28+$0xFFFFFF40]  }
0x151: {  	v29 =	vld [tilespmem:s28+$0x30]  }
0x152: {  	v30 =	vld [tilespmem:s25+$0x30]  }
0x153: {  	v23 =	vld [tilespmem:s28+$0xFFFFFFB0]  }
0x154: {  	v24 =	vld [tilespmem:s25+$0xFFFFFFB0]  }
0x155: {  	v12 =	vld [tilespmem:s28+$0xA0]  }
0x156: {  	v21 =	vld [tilespmem:s28+$0xFFFFFF30]  }
0x157: {  	v34 =	vld [tilespmem:s28+$0x20]  }
0x158: {  	v35 =	vld [tilespmem:s25+$0x20]  }
0x159: {  	v32 =	vld [tilespmem:s28+$0xFFFFFFA0]  }
0x15a: {  	v33 =	vld [tilespmem:s25+$0xFFFFFFA0]  }
0x15b: {  	v26 =	vld [tilespmem:s28+$0x80]  }
0x15c: {  	v27 =	vld [tilespmem:s25+$0x80]  }
0x15d: {  	v28 =	vld [tilespmem:s28+$0x90]  }
0x15e: {  	v43 =	vld [tilespmem:s28+$0x0]  }
0x15f: {  	v44 =	vld [tilespmem:s25+$0x0]  }
0x160: {  	v45 =	vld [tilespmem:s28+$0x10]  }
0x161: {  	v50 =	vld [tilespmem:s25+$0x10]  }
0x162: {  	v39 =	vld [tilespmem:s28+$0xFFFFFF80]  }
0x163: {  	v40 =	vld [tilespmem:s25+$0xFFFFFF80]  }
0x164: {  	v41 =	vld [tilespmem:s28+$0xFFFFFF90]  }
.Ltmp2:
0x165: {  	v42 =	vld [tilespmem:s25+$0xFFFFFF90];
	(pc) =	sbr.rel @p0 .LBB2_7-.Ltmp2, $4  }
0x166: {  	v36 =	vld [tilespmem:s28+$0xFFFFFF00]  }
0x167: {  	v22 =	vmul.f32 v25, v22;
	v13 =	vmul.f32 v31, v13;
	v37 =	vld [tilespmem:s25+$0xFFFFFF00]  }
0x168: {  	v44 =	vmul.f32 v44, v43;
	v45 =	vmul.f32 v50, v45;
	v38 =	vld [tilespmem:s28+$0xFFFFFF10]  }
0x169: {  	s23 =	sadd.s32 $0x4, s23;
	v31 =	vmul.f32 v47, v46;
	v25 =	vmul.f32 v49, v48;
	v43 =	vld [tilespmem:s25+$0xFFFFFF10]  }
0x16a: {  	v46 =	vld [tilespmem:s28+$0xFFFFFF20];
	v34 =	vmul.f32 v35, v34;
	v16 =	vmul.f32 v19, v16  }
0x16b: {  	v53 =	vld [tilespmem:s25+$0xFFFFFF20];
	v54 =	vmul.f32 v40, v39;
	v55 =	vmul.f32 v42, v41  }
0x16c: {  	v56 =	vld [tilespmem:s25+$0x90];
	v14 =	vmul.f32 v15, v14;
	v29 =	vmul.f32 v30, v29  }
0x16d: {  	v58 =	vld [tilespmem:s25+$0xFFFFFF30];
	v32 =	vmul.f32 v33, v32;
	v18 =	vmul.f32 v20, v18  }
0x16e: {  	v44 =	vadd.f32 v45, v44;
	v62 =	vld [tilespmem:s25+$0xA0];
	v60 =	vmul.f32 v37, v36;
	v61 =	vmul.f32 v43, v38  }
0x16f: {  	v63 =	vld [tilespmem:s25+$0xFFFFFF40];
	v23 =	vmul.f32 v24, v23;
	v26 =	vmul.f32 v27, v26;
	v59 =	vadd.f32 v55, v54  }
0x170: {  	v57 =	vadd.f32 v34, v44;
	v38 =	vld [tilespmem:s25+$0xB0];
	v19 =	vmul.f32 v53, v46;
	v36 =	vadd.f32 v61, v60  }
0x171: {  	v39 =	vld [tilespmem:s25+$0xFFFFFF50];
	v11 =	vmul.f32 v17, v11;
	v32 =	vadd.f32 v32, v59;
	v41 =	vmul.f32 v56, v28  }
0x172: {  	v44 =	vld [tilespmem:s25+$0xC0];
	v15 =	vadd.f32 v29, v57;
	v43 =	vmul.f32 v58, v21;
	v42 =	vadd.f32 v19, v36  }
0x173: {  	v45 =	vld [tilespmem:s25+$0xFFFFFF60];
	v12 =	vmul.f32 v62, v12;
	v23 =	vadd.f32 v23, v32;
	v26 =	vadd.f32 v41, v26  }
0x174: {  	v10 =	vmul.f32 v63, v10;
	v46 =	vld [tilespmem:s25+$0xD0];
	v15 =	vadd.f32 v18, v15;
	v17 =	vadd.f32 v43, v42  }
0x175: {  	v47 =	vld [tilespmem:s25+$0xFFFFFF70];
	v11 =	vadd.f32 v11, v23;
	v12 =	vadd.f32 v12, v26;
	v9 =	vmul.f32 v38, v9  }
0x176: {  	v48 =	vld [tilespmem:s25+$0xE0];
	v8 =	vmul.f32 v39, v8;
	v15 =	vadd.f32 v16, v15;
	v10 =	vadd.f32 v10, v17  }
0x177: {  	v49 =	vld [tilespmem:s28+$0xF0];
	v7 =	vmul.f32 v44, v7;
	v11 =	vadd.f32 v14, v11;
	v9 =	vadd.f32 v9, v12  }
0x178: {  	v51 =	vld [tilespmem:s25+$0xF0];
	v6 =	vmul.f32 v45, v6;
	v50 =	vadd.f32 v31, v15;
	v8 =	vadd.f32 v8, v10  }
0x179: {  	v5 =	vmul.f32 v46, v5;
	v11 =	vadd.f32 v25, v11;
	v7 =	vadd.f32 v7, v9  }
0x17a: {  	v3 =	vmul.f32 v47, v3;
	v52 =	vadd.f32 v22, v50;
	v6 =	vadd.f32 v6, v8  }
0x17b: {  	v2 =	vmul.f32 v48, v2;
	v53 =	vadd.f32 v13, v11;
	v5 =	vadd.f32 v5, v7  }
0x17c: {  	(xrf2) =	vadd.scan.msk.f32 $0xffff, v52;
	v3 =	vadd.f32 v3, v6  }
0x17d: {  	v54 =	vmul.f32 v51, v49;
	(xrf2) =	vadd.scan.msk.f32 $0xffff, v53;
	v2 =	vadd.f32 v2, v5  }
0x17e: {  	(xrf2) =	vadd.scan.msk.f32 $0xffff, v3  }
0x17f: {  	v2 =	vadd.f32 v54, v2;
	_ =	sdelay $0x1  }
0x180: {  	(xrf2) =	vadd.scan.msk.f32 $0xffff, v2;
	_ =	sdelay $0x4  }
0x181: {  	v2, _, _ =	vpop (xrf2)  }
0x182: {  	v3, _, _ =	vpop (xrf2)  }
0x183: {  	s10 =	sadd.s32 $0x2, s8;
	v55 =	vmov s8;
	v56, _, _ =	vpop (xrf2)  }
0x184: {  	s11 =	sadd.s32 $0x3, s8;
	s28 =	sadd.s32 $0x1, s8;
	vm0 =	veq.s32 v55, v0;
	v57 =	vmov s10;
	v6 =	vbroadcast v56, $0xF  }
0x185: {  	v59 =	vmov s28;
	v58 =	vmov s11;
	v60 =	vld [tilespmem:s7+$0x18500];
	v3 =	vbroadcast v3, $0xF  }
0x186: {  	vm13 =	veq.s32 v59, v0;
	v2 =	vbroadcast v2, $0xF;
	v61, _, _ =	vpop (xrf2);
	v4 =	vsel vm0, v6, v4  }
0x187: {  	vm14 =	veq.s32 v57, v0;
	v63 =	vld [tilespmem:s7+$0x18580];
	v62 =	vbroadcast v61, $0xF;
	v3 =	vsel vm13, v3, v4  }
0x188: {  	vm15 =	veq.s32 v58, v0;
	v2 =	vsel vm14, v2, v3  }
0x189: {  	v2 =	vsel vm15, v62, v2  }
0x18a: {  	v2 =	vadd.f32 v60, v2;
	_ =	sdelay $0x1  }
0x18b: {  	v2 =	vadd.f32 v63, v2;
	_ =	sdelay $0x1  }
0x18c: {  	v2 =	vadd.f32 v2, v1;
	_ =	sdelay $0x1  }
0x18d: {  	v2 =	vsub.f32 $0.0e+00, v2;
	_ =	sdelay $0x1  }
0x18e: {  	v2 =	vmul.f32 $1.442695020e+00, v2;
	_ =	sdelay $0x1  }
0x18f: {  	(erf) = vpow2.f32 v2;
	_ =	sdelay $0x8  }
0x190: {  	v2 =	vpop (erf)  }
0x191: {  	v2 =	vadd.f32 $1.000000000e+00, v2;
	_ =	sdelay $0x1  }
0x192: {  	(erf) = vrcp.f32 v2;
	_ =	sdelay $0x7  }
0x193: {  	s21 =	sadd.s32 $0x1, s21  }
0x194: {  	p0 =	sne.s32 s21, $0x8;
	v2 =	vpop (erf)  }
.Ltmp3:
0x195: {  	v2 =	vmul.f32 $4.000000000e+00, v2;
	(pc) =	sbr.rel @p0 .LBB2_6-.Ltmp3, $3  }
0x196: {  	_ = 	snop  }
0x197: {  	v2 =	vadd.f32 $1.000000000e+00, v2;
	_ =	sdelay $0x1  }
0x198: {  	s22 =	sadd.s32 $0x800, s22;
	s9 =	sadd.s32 $0x800, s9;
	[tilespmem:s7+$0x18780] =	vst v2  }
0x199: {  	_ =	swait.ge [sflag:s31], $0x4000  }
0x19a: {  	[sflag:s31] =	ssyncset.done $0x0  }
0x19b: {  	[sflag:s31] =	ssyncadd.s32 $0xFFFFC000  }
0x19c: {  	_ =	swait.ge [sflag:s16], $0x4000  }
0x19d: {  	[sflag:s16] =	ssyncset.done $0x0  }
0x19e: {  	[sflag:s16] =	ssyncadd.s32 $0xFFFFC000  }
0x19f: {  	_ =	swait.ge [sflag:s17], $0x80  }
0x1a0: {  	[sflag:s17] =	ssyncset.done $0x0  }
0x1a1: {  	[sflag:s17] =	ssyncadd.s32 $0xFFFFFF80  }
0x1a2: {  	_ =	swait.ge [sflag:s18], $0x80  }
0x1a3: {  	s21 =	simm.s32 $0x0;
	[sflag:s18] =	ssyncset.done $0x0  }
0x1a4: {  	s25 =	simm.s32 $0x14500;
	s28 =	simm.s32 $0x10500;
	[sflag:s18] =	ssyncadd.s32 $0xFFFFFF80  }
.LBB2_10:
0x1a5: {  	v4 =	vld [tilespmem:s28+$0x70]  }
0x1a6: {  	v22 =	vld [tilespmem:s25+$0x70]  }
0x1a7: {  	v13 =	vld [tilespmem:s28+$0xFFFFFFF0]  }
0x1a8: {  	v25 =	vld [tilespmem:s25+$0xFFFFFFF0]  }
0x1a9: {  	v2 =	vld [tilespmem:s28+$0xE0]  }
0x1aa: {  	v3 =	vld [tilespmem:s28+$0xFFFFFF70]  }
0x1ab: {  	v31 =	vld [tilespmem:s28+$0x60]  }
0x1ac: {  	v46 =	vld [tilespmem:s25+$0x60]  }
0x1ad: {  	v47 =	vld [tilespmem:s28+$0xFFFFFFE0]  }
0x1ae: {  	v48 =	vld [tilespmem:s25+$0xFFFFFFE0]  }
0x1af: {  	v5 =	vld [tilespmem:s28+$0xD0]  }
0x1b0: {  	v6 =	vld [tilespmem:s28+$0xFFFFFF60]  }
0x1b1: {  	v16 =	vld [tilespmem:s28+$0x50]  }
0x1b2: {  	v19 =	vld [tilespmem:s25+$0x50]  }
0x1b3: {  	v14 =	vld [tilespmem:s28+$0xFFFFFFD0]  }
0x1b4: {  	v15 =	vld [tilespmem:s25+$0xFFFFFFD0]  }
0x1b5: {  	v7 =	vld [tilespmem:s28+$0xC0]  }
0x1b6: {  	v8 =	vld [tilespmem:s28+$0xFFFFFF50]  }
0x1b7: {  	v18 =	vld [tilespmem:s28+$0x40]  }
0x1b8: {  	v20 =	vld [tilespmem:s25+$0x40]  }
0x1b9: {  	v11 =	vld [tilespmem:s28+$0xFFFFFFC0]  }
0x1ba: {  	v17 =	vld [tilespmem:s25+$0xFFFFFFC0]  }
0x1bb: {  	v9 =	vld [tilespmem:s28+$0xB0]  }
0x1bc: {  	v10 =	vld [tilespmem:s28+$0xFFFFFF40]  }
0x1bd: {  	v29 =	vld [tilespmem:s28+$0x30]  }
0x1be: {  	v30 =	vld [tilespmem:s25+$0x30]  }
0x1bf: {  	v23 =	vld [tilespmem:s28+$0xFFFFFFB0]  }
0x1c0: {  	v24 =	vld [tilespmem:s25+$0xFFFFFFB0]  }
0x1c1: {  	v12 =	vld [tilespmem:s28+$0xA0]  }
0x1c2: {  	v21 =	vld [tilespmem:s28+$0xFFFFFF30]  }
0x1c3: {  	v34 =	vld [tilespmem:s28+$0x20]  }
0x1c4: {  	v35 =	vld [tilespmem:s25+$0x20]  }
0x1c5: {  	v32 =	vld [tilespmem:s28+$0xFFFFFFA0]  }
0x1c6: {  	v33 =	vld [tilespmem:s25+$0xFFFFFFA0]  }
0x1c7: {  	v26 =	vld [tilespmem:s28+$0x80]  }
0x1c8: {  	v27 =	vld [tilespmem:s25+$0x80]  }
0x1c9: {  	v28 =	vld [tilespmem:s28+$0x90]  }
0x1ca: {  	v43 =	vld [tilespmem:s28+$0x0]  }
0x1cb: {  	v44 =	vld [tilespmem:s25+$0x0]  }
0x1cc: {  	v45 =	vld [tilespmem:s28+$0x10]  }
0x1cd: {  	v49 =	vld [tilespmem:s25+$0x10]  }
0x1ce: {  	v39 =	vld [tilespmem:s28+$0xFFFFFF80]  }
0x1cf: {  	v40 =	vld [tilespmem:s25+$0xFFFFFF80]  }
0x1d0: {  	v41 =	vld [tilespmem:s28+$0xFFFFFF90]  }
0x1d1: {  	v42 =	vld [tilespmem:s25+$0xFFFFFF90]  }
0x1d2: {  	v36 =	vld [tilespmem:s28+$0xFFFFFF00]  }
0x1d3: {  	v37 =	vld [tilespmem:s25+$0xFFFFFF00];
	v13 =	vmul.f32 v25, v13;
	v22 =	vmul.f32 v22, v4  }
0x1d4: {  	v38 =	vld [tilespmem:s28+$0xFFFFFF10];
	s7 =	sshll.u32 s21, $0x4;
	s23 =	simm.s32 $0x4;
	v44 =	vmul.f32 v44, v43;
	v45 =	vmul.f32 v49, v45  }
0x1d5: {  	s9 =	smov.u32 s28;
	s22 =	smov.u32 s25;
	s8 =	simm.s32 $0x0;
	v4 =	vimm.f32 $0.0e+00;
	v43 =	vld [tilespmem:s25+$0xFFFFFF10];
	v25 =	vmul.f32 v48, v47;
	v31 =	vmul.f32 v46, v31  }
.LBB2_11:
0x1d6: {  	p0 =	slt.u32 s23, $0xC;
	v46 =	vld [tilespmem:s9+$0xFFFFFF20];
	v44 =	vadd.f32 v45, v44;
	v34 =	vmul.f32 v35, v34;
	v16 =	vmul.f32 v19, v16  }
0x1d7: {  	v35 =	vmul.f32 v40, v39;
	v39 =	vmul.f32 v42, v41;
	v19 =	vld [tilespmem:s22+$0xFFFFFF20]  }
0x1d8: {  	v14 =	vmul.f32 v15, v14;
	v29 =	vmul.f32 v30, v29;
	v15 =	vadd.f32 v34, v44;
	v30 =	vld [tilespmem:s22+$0x90]  }
0x1d9: {  	v32 =	vmul.f32 v33, v32;
	v18 =	vmul.f32 v20, v18;
	v35 =	vadd.f32 v39, v35;
	v34 =	vld [tilespmem:s22+$0xFFFFFF30]  }
0x1da: {  	v20 =	vmul.f32 v37, v36;
	v33 =	vmul.f32 v43, v38;
	v15 =	vadd.f32 v29, v15;
	v29 =	vld [tilespmem:s22+$0xA0]  }
0x1db: {  	v23 =	vmul.f32 v24, v23;
	v11 =	vmul.f32 v17, v11;
	v32 =	vadd.f32 v32, v35;
	v36 =	vld [tilespmem:s22+$0xFFFFFF40]  }
0x1dc: {  	v17 =	vadd.f32 v33, v20;
	v19 =	vmul.f32 v19, v46;
	v15 =	vadd.f32 v18, v15;
	v18 =	vld [tilespmem:s22+$0xB0]  }
0x1dd: {  	v24 =	vmul.f32 v27, v26;
	v23 =	vadd.f32 v23, v32;
	v20 =	vld [tilespmem:s22+$0xFFFFFF50];
	v26 =	vmul.f32 v30, v28  }
0x1de: {  	v17 =	vadd.f32 v19, v17;
	v19 =	vmul.f32 v34, v21;
	v15 =	vadd.f32 v16, v15;
	v16 =	vld [tilespmem:s22+$0xC0]  }
0x1df: {  	v11 =	vadd.f32 v11, v23;
	v21 =	vld [tilespmem:s22+$0xFFFFFF60];
	v23 =	vadd.f32 v26, v24;
	v12 =	vmul.f32 v29, v12  }
0x1e0: {  	v17 =	vadd.f32 v19, v17;
	v10 =	vmul.f32 v36, v10;
	v15 =	vadd.f32 v31, v15;
	v19 =	vld [tilespmem:s22+$0xD0]  }
0x1e1: {  	v11 =	vadd.f32 v14, v11;
	v24 =	vld [tilespmem:s22+$0xFFFFFF70];
	v12 =	vadd.f32 v12, v23;
	v9 =	vmul.f32 v18, v9  }
0x1e2: {  	v10 =	vadd.f32 v10, v17;
	v8 =	vmul.f32 v20, v8;
	v14 =	vadd.f32 v22, v15;
	v15 =	vld [tilespmem:s22+$0xE0]  }
0x1e3: {  	v11 =	vadd.f32 v25, v11;
	v9 =	vadd.f32 v9, v12;
	v7 =	vmul.f32 v16, v7;
	v12 =	vld [tilespmem:s9+$0xF0]  }
0x1e4: {  	s9 =	sadd.s32 $0x200, s9;
	v8 =	vadd.f32 v8, v10;
	v6 =	vmul.f32 v21, v6;
	v10 =	vld [tilespmem:s22+$0xF0];
	(xrf2) =	vadd.scan.msk.f32 $0xffff, v14  }
0x1e5: {  	v11 =	vadd.f32 v13, v11;
	s22 =	sadd.s32 $0x200, s22;
	v22 =	vld [tilespmem:s9+$0x70];
	v7 =	vadd.f32 v7, v9;
	v5 =	vmul.f32 v19, v5  }
0x1e6: {  	v25 =	vld [tilespmem:s22+$0x70];
	v6 =	vadd.f32 v6, v8;
	v3 =	vmul.f32 v24, v3  }
0x1e7: {  	v13 =	vld [tilespmem:s9+$0xFFFFFFF0];
	v5 =	vadd.f32 v5, v7;
	v7 =	vmul.f32 v15, v2;
	(xrf2) =	vadd.scan.msk.f32 $0xffff, v11  }
0x1e8: {  	v31 =	vld [tilespmem:s22+$0xFFFFFFF0];
	v6 =	vadd.f32 v3, v6  }
0x1e9: {  	v2 =	vld [tilespmem:s9+$0xE0];
	v5 =	vadd.f32 v7, v5;
	v7 =	vmul.f32 v10, v12  }
0x1ea: {  	v3 =	vld [tilespmem:s9+$0xFFFFFF70];
	(xrf2) =	vadd.scan.msk.f32 $0xffff, v6  }
0x1eb: {  	v46 =	vld [tilespmem:s9+$0x60];
	v5 =	vadd.f32 v7, v5  }
0x1ec: {  	v47 =	vld [tilespmem:s22+$0x60]  }
0x1ed: {  	v48 =	vld [tilespmem:s9+$0xFFFFFFE0];
	(xrf2) =	vadd.scan.msk.f32 $0xffff, v5  }
0x1ee: {  	v49 =	vld [tilespmem:s22+$0xFFFFFFE0];
	v9, _, _ =	vpop (xrf2)  }
0x1ef: {  	v5 =	vld [tilespmem:s9+$0xD0]  }
0x1f0: {  	v6 =	vld [tilespmem:s9+$0xFFFFFF60]  }
0x1f1: {  	v16 =	vld [tilespmem:s9+$0x50];
	v10, _, _ =	vpop (xrf2)  }
0x1f2: {  	v19 =	vld [tilespmem:s22+$0x50]  }
0x1f3: {  	v14 =	vld [tilespmem:s9+$0xFFFFFFD0]  }
0x1f4: {  	s10 =	sadd.s32 $0x2, s8;
	s11 =	sadd.s32 $0x3, s8;
	v11 =	vmov s8;
	v15 =	vld [tilespmem:s22+$0xFFFFFFD0];
	v8, _, _ =	vpop (xrf2)  }
0x1f5: {  	s13 =	sadd.s32 $0x1, s8;
	v17 =	vmov s10;
	v21 =	vmov s11;
	s8 =	smov.u32 s23;
	v7 =	vld [tilespmem:s9+$0xC0];
	v12 =	vbroadcast v8, $0xF  }
0x1f6: {  	v20 =	vmov s13;
	vm0 =	veq.s32 v11, v0;
	v10 =	vbroadcast v10, $0xF;
	v8 =	vld [tilespmem:s9+$0xFFFFFF50]  }
0x1f7: {  	v9 =	vbroadcast v9, $0xF;
	v18 =	vld [tilespmem:s9+$0x40];
	v4 =	vsel vm0, v12, v4;
	vm0 =	veq.s32 v20, v0;
	v11, _, _ =	vpop (xrf2)  }
0x1f8: {  	v20 =	vld [tilespmem:s22+$0x40];
	v4 =	vsel vm0, v10, v4;
	vm0 =	veq.s32 v17, v0;
	v10 =	vbroadcast v11, $0xF  }
0x1f9: {  	v11 =	vld [tilespmem:s9+$0xFFFFFFC0];
	v4 =	vsel vm0, v9, v4;
	vm0 =	veq.s32 v21, v0  }
0x1fa: {  	v17 =	vld [tilespmem:s22+$0xFFFFFFC0];
	v4 =	vsel vm0, v10, v4  }
0x1fb: {  	v9 =	vld [tilespmem:s9+$0xB0]  }
0x1fc: {  	v10 =	vld [tilespmem:s9+$0xFFFFFF40]  }
0x1fd: {  	v29 =	vld [tilespmem:s9+$0x30]  }
0x1fe: {  	v30 =	vld [tilespmem:s22+$0x30]  }
0x1ff: {  	v23 =	vld [tilespmem:s9+$0xFFFFFFB0]  }
0x200: {  	v24 =	vld [tilespmem:s22+$0xFFFFFFB0]  }
0x201: {  	v12 =	vld [tilespmem:s9+$0xA0]  }
0x202: {  	v21 =	vld [tilespmem:s9+$0xFFFFFF30]  }
0x203: {  	v34 =	vld [tilespmem:s9+$0x20]  }
0x204: {  	v35 =	vld [tilespmem:s22+$0x20]  }
0x205: {  	v32 =	vld [tilespmem:s9+$0xFFFFFFA0]  }
0x206: {  	v33 =	vld [tilespmem:s22+$0xFFFFFFA0]  }
0x207: {  	v26 =	vld [tilespmem:s9+$0x80]  }
0x208: {  	v27 =	vld [tilespmem:s22+$0x80]  }
0x209: {  	v28 =	vld [tilespmem:s9+$0x90]  }
0x20a: {  	v43 =	vld [tilespmem:s9+$0x0]  }
0x20b: {  	v44 =	vld [tilespmem:s22+$0x0]  }
0x20c: {  	v45 =	vld [tilespmem:s9+$0x10]  }
0x20d: {  	v50 =	vld [tilespmem:s22+$0x10]  }
0x20e: {  	v39 =	vld [tilespmem:s9+$0xFFFFFF80]  }
0x20f: {  	v40 =	vld [tilespmem:s22+$0xFFFFFF80]  }
0x210: {  	v41 =	vld [tilespmem:s9+$0xFFFFFF90]  }
.Ltmp4:
0x211: {  	v42 =	vld [tilespmem:s22+$0xFFFFFF90];
	(pc) =	sbr.rel @p0 .LBB2_11-.Ltmp4, $4  }
0x212: {  	v36 =	vld [tilespmem:s9+$0xFFFFFF00]  }
0x213: {  	v22 =	vmul.f32 v25, v22;
	v13 =	vmul.f32 v31, v13;
	v37 =	vld [tilespmem:s22+$0xFFFFFF00]  }
0x214: {  	v44 =	vmul.f32 v44, v43;
	v45 =	vmul.f32 v50, v45;
	v38 =	vld [tilespmem:s9+$0xFFFFFF10]  }
0x215: {  	s23 =	sadd.s32 $0x4, s23;
	v31 =	vmul.f32 v47, v46;
	v25 =	vmul.f32 v49, v48;
	v43 =	vld [tilespmem:s22+$0xFFFFFF10]  }
0x216: {  	v46 =	vld [tilespmem:s9+$0xFFFFFF20];
	v34 =	vmul.f32 v35, v34;
	v16 =	vmul.f32 v19, v16  }
0x217: {  	v53 =	vld [tilespmem:s22+$0xFFFFFF20];
	v54 =	vmul.f32 v40, v39;
	v55 =	vmul.f32 v42, v41  }
0x218: {  	v56 =	vld [tilespmem:s22+$0x90];
	v14 =	vmul.f32 v15, v14;
	v29 =	vmul.f32 v30, v29  }
0x219: {  	v58 =	vld [tilespmem:s22+$0xFFFFFF30];
	v32 =	vmul.f32 v33, v32;
	v18 =	vmul.f32 v20, v18  }
0x21a: {  	v44 =	vadd.f32 v45, v44;
	v62 =	vld [tilespmem:s22+$0xA0];
	v60 =	vmul.f32 v37, v36;
	v61 =	vmul.f32 v43, v38  }
0x21b: {  	v63 =	vld [tilespmem:s22+$0xFFFFFF40];
	v23 =	vmul.f32 v24, v23;
	v26 =	vmul.f32 v27, v26;
	v59 =	vadd.f32 v55, v54  }
0x21c: {  	v57 =	vadd.f32 v34, v44;
	v38 =	vld [tilespmem:s22+$0xB0];
	v19 =	vmul.f32 v53, v46;
	v36 =	vadd.f32 v61, v60  }
0x21d: {  	v39 =	vld [tilespmem:s22+$0xFFFFFF50];
	v11 =	vmul.f32 v17, v11;
	v32 =	vadd.f32 v32, v59;
	v41 =	vmul.f32 v56, v28  }
0x21e: {  	v44 =	vld [tilespmem:s22+$0xC0];
	v15 =	vadd.f32 v29, v57;
	v43 =	vmul.f32 v58, v21;
	v42 =	vadd.f32 v19, v36  }
0x21f: {  	v45 =	vld [tilespmem:s22+$0xFFFFFF60];
	v12 =	vmul.f32 v62, v12;
	v23 =	vadd.f32 v23, v32;
	v26 =	vadd.f32 v41, v26  }
0x220: {  	v10 =	vmul.f32 v63, v10;
	v46 =	vld [tilespmem:s22+$0xD0];
	v15 =	vadd.f32 v18, v15;
	v17 =	vadd.f32 v43, v42  }
0x221: {  	v47 =	vld [tilespmem:s22+$0xFFFFFF70];
	v11 =	vadd.f32 v11, v23;
	v12 =	vadd.f32 v12, v26;
	v9 =	vmul.f32 v38, v9  }
0x222: {  	v48 =	vld [tilespmem:s22+$0xE0];
	v8 =	vmul.f32 v39, v8;
	v15 =	vadd.f32 v16, v15;
	v10 =	vadd.f32 v10, v17  }
0x223: {  	v49 =	vld [tilespmem:s9+$0xF0];
	v7 =	vmul.f32 v44, v7;
	v11 =	vadd.f32 v14, v11;
	v9 =	vadd.f32 v9, v12  }
0x224: {  	v51 =	vld [tilespmem:s22+$0xF0];
	v6 =	vmul.f32 v45, v6;
	v50 =	vadd.f32 v31, v15;
	v8 =	vadd.f32 v8, v10  }
0x225: {  	v5 =	vmul.f32 v46, v5;
	v11 =	vadd.f32 v25, v11;
	v7 =	vadd.f32 v7, v9  }
0x226: {  	v3 =	vmul.f32 v47, v3;
	v52 =	vadd.f32 v22, v50;
	v6 =	vadd.f32 v6, v8  }
0x227: {  	v2 =	vmul.f32 v48, v2;
	v53 =	vadd.f32 v13, v11;
	v5 =	vadd.f32 v5, v7  }
0x228: {  	(xrf2) =	vadd.scan.msk.f32 $0xffff, v52;
	v3 =	vadd.f32 v3, v6  }
0x229: {  	v54 =	vmul.f32 v51, v49;
	(xrf2) =	vadd.scan.msk.f32 $0xffff, v53;
	v2 =	vadd.f32 v2, v5  }
0x22a: {  	(xrf2) =	vadd.scan.msk.f32 $0xffff, v3  }
0x22b: {  	v2 =	vadd.f32 v54, v2;
	_ =	sdelay $0x1  }
0x22c: {  	(xrf2) =	vadd.scan.msk.f32 $0xffff, v2;
	_ =	sdelay $0x4  }
0x22d: {  	v2, _, _ =	vpop (xrf2)  }
0x22e: {  	v3, _, _ =	vpop (xrf2)  }
0x22f: {  	s23 =	sadd.s32 $0x1, s8;
	v55 =	vmov s8;
	v56, _, _ =	vpop (xrf2)  }
0x230: {  	s10 =	sadd.s32 $0x3, s8;
	vm0 =	veq.s32 v55, v0;
	v59 =	vmov s23;
	v6 =	vbroadcast v56, $0xF  }
0x231: {  	s22 =	sadd.s32 $0x2, s8;
	v58 =	vmov s10;
	vm13 =	veq.s32 v59, v0;
	v60 =	vld [tilespmem:s7+$0x18600];
	v3 =	vbroadcast v3, $0xF  }
0x232: {  	v57 =	vmov s22;
	v2 =	vbroadcast v2, $0xF;
	v61, _, _ =	vpop (xrf2);
	v4 =	vsel vm0, v6, v4  }
0x233: {  	v63 =	vld [tilespmem:s7+$0x18680];
	vm14 =	veq.s32 v57, v0;
	v62 =	vbroadcast v61, $0xF;
	v3 =	vsel vm13, v3, v4  }
0x234: {  	vm15 =	veq.s32 v58, v0;
	v2 =	vsel vm14, v2, v3  }
0x235: {  	v2 =	vsel vm15, v62, v2  }
0x236: {  	v2 =	vadd.f32 v60, v2;
	_ =	sdelay $0x1  }
0x237: {  	v2 =	vadd.f32 v63, v2;
	_ =	sdelay $0x1  }
0x238: {  	v2 =	vadd.f32 v2, v1;
	_ =	sdelay $0x1  }
0x239: {  	v2 =	vsub.f32 $0.0e+00, v2;
	_ =	sdelay $0x1  }
0x23a: {  	v2 =	vmul.f32 $1.442695020e+00, v2;
	_ =	sdelay $0x1  }
0x23b: {  	(erf) = vpow2.f32 v2;
	_ =	sdelay $0x8  }
0x23c: {  	v2 =	vpop (erf)  }
0x23d: {  	v2 =	vadd.f32 $1.000000000e+00, v2;
	_ =	sdelay $0x1  }
0x23e: {  	(erf) = vrcp.f32 v2;
	_ =	sdelay $0x7  }
0x23f: {  	s21 =	sadd.s32 $0x1, s21  }
0x240: {  	p0 =	sne.s32 s21, $0x8;
	v2 =	vpop (erf)  }
.Ltmp5:
0x241: {  	v2 =	vmul.f32 $4.000000000e+00, v2;
	(pc) =	sbr.rel @p0 .LBB2_10-.Ltmp5, $3  }
0x242: {  	_ = 	snop  }
0x243: {  	v2 =	vadd.f32 $1.000000000e+00, v2;
	_ =	sdelay $0x1  }
0x244: {  	s25 =	sadd.s32 $0x800, s25;
	s28 =	sadd.s32 $0x800, s28;
	[tilespmem:s7+$0x18800] =	vst v2  }
0x245: {  	_ =	swait.ge [sflag:s0], $0x4000  }
0x246: {  	[sflag:s0] =	ssyncset.done $0x0  }
0x247: {  	[sflag:s0] =	ssyncadd.s32 $0xFFFFC000  }
0x248: {  	_ =	swait.ge [sflag:s6], $0x4000  }
0x249: {  	[sflag:s6] =	ssyncset.done $0x0  }
0x24a: {  	[sflag:s6] =	ssyncadd.s32 $0xFFFFC000  }
0x24b: {  	_ =	swait.ge [sflag:s14], $0x80  }
0x24c: {  	[sflag:s14] =	ssyncset.done $0x0  }
0x24d: {  	[sflag:s14] =	ssyncadd.s32 $0xFFFFFF80  }
0x24e: {  	_ =	swait.ge [sflag:s20], $0x80  }
0x24f: {  	s21 =	simm.s32 $0x0;
	[sflag:s20] =	ssyncset.done $0x0  }
0x250: {  	s25 =	simm.s32 $0x4500;
	s28 =	simm.s32 $0x500;
	[sflag:s20] =	ssyncadd.s32 $0xFFFFFF80  }
.LBB2_14:
0x251: {  	v4 =	vld [tilespmem:s28+$0x70]  }
0x252: {  	v22 =	vld [tilespmem:s25+$0x70]  }
0x253: {  	v13 =	vld [tilespmem:s28+$0xFFFFFFF0]  }
0x254: {  	v25 =	vld [tilespmem:s25+$0xFFFFFFF0]  }
0x255: {  	v2 =	vld [tilespmem:s28+$0xE0]  }
0x256: {  	v3 =	vld [tilespmem:s28+$0xFFFFFF70]  }
0x257: {  	v31 =	vld [tilespmem:s28+$0x60]  }
0x258: {  	v46 =	vld [tilespmem:s25+$0x60]  }
0x259: {  	v47 =	vld [tilespmem:s28+$0xFFFFFFE0]  }
0x25a: {  	v48 =	vld [tilespmem:s25+$0xFFFFFFE0]  }
0x25b: {  	v5 =	vld [tilespmem:s28+$0xD0]  }
0x25c: {  	v6 =	vld [tilespmem:s28+$0xFFFFFF60]  }
0x25d: {  	v16 =	vld [tilespmem:s28+$0x50]  }
0x25e: {  	v19 =	vld [tilespmem:s25+$0x50]  }
0x25f: {  	v14 =	vld [tilespmem:s28+$0xFFFFFFD0]  }
0x260: {  	v15 =	vld [tilespmem:s25+$0xFFFFFFD0]  }
0x261: {  	v7 =	vld [tilespmem:s28+$0xC0]  }
0x262: {  	v8 =	vld [tilespmem:s28+$0xFFFFFF50]  }
0x263: {  	v18 =	vld [tilespmem:s28+$0x40]  }
0x264: {  	v20 =	vld [tilespmem:s25+$0x40]  }
0x265: {  	v11 =	vld [tilespmem:s28+$0xFFFFFFC0]  }
0x266: {  	v17 =	vld [tilespmem:s25+$0xFFFFFFC0]  }
0x267: {  	v9 =	vld [tilespmem:s28+$0xB0]  }
0x268: {  	v10 =	vld [tilespmem:s28+$0xFFFFFF40]  }
0x269: {  	v29 =	vld [tilespmem:s28+$0x30]  }
0x26a: {  	v30 =	vld [tilespmem:s25+$0x30]  }
0x26b: {  	v23 =	vld [tilespmem:s28+$0xFFFFFFB0]  }
0x26c: {  	v24 =	vld [tilespmem:s25+$0xFFFFFFB0]  }
0x26d: {  	v12 =	vld [tilespmem:s28+$0xA0]  }
0x26e: {  	v21 =	vld [tilespmem:s28+$0xFFFFFF30]  }
0x26f: {  	v34 =	vld [tilespmem:s28+$0x20]  }
0x270: {  	v35 =	vld [tilespmem:s25+$0x20]  }
0x271: {  	v32 =	vld [tilespmem:s28+$0xFFFFFFA0]  }
0x272: {  	v33 =	vld [tilespmem:s25+$0xFFFFFFA0]  }
0x273: {  	v26 =	vld [tilespmem:s28+$0x80]  }
0x274: {  	v27 =	vld [tilespmem:s25+$0x80]  }
0x275: {  	v28 =	vld [tilespmem:s28+$0x90]  }
0x276: {  	v43 =	vld [tilespmem:s28+$0x0]  }
0x277: {  	v44 =	vld [tilespmem:s25+$0x0]  }
0x278: {  	v45 =	vld [tilespmem:s28+$0x10]  }
0x279: {  	v49 =	vld [tilespmem:s25+$0x10]  }
0x27a: {  	v39 =	vld [tilespmem:s28+$0xFFFFFF80]  }
0x27b: {  	v40 =	vld [tilespmem:s25+$0xFFFFFF80]  }
0x27c: {  	v41 =	vld [tilespmem:s28+$0xFFFFFF90]  }
0x27d: {  	v42 =	vld [tilespmem:s25+$0xFFFFFF90]  }
0x27e: {  	v36 =	vld [tilespmem:s28+$0xFFFFFF00]  }
0x27f: {  	v37 =	vld [tilespmem:s25+$0xFFFFFF00];
	v13 =	vmul.f32 v25, v13;
	v22 =	vmul.f32 v22, v4  }
0x280: {  	v38 =	vld [tilespmem:s28+$0xFFFFFF10];
	s7 =	sshll.u32 s21, $0x4;
	s23 =	simm.s32 $0x4;
	v44 =	vmul.f32 v44, v43;
	v45 =	vmul.f32 v49, v45  }
0x281: {  	s9 =	smov.u32 s28;
	s22 =	smov.u32 s25;
	s8 =	simm.s32 $0x0;
	v4 =	vimm.f32 $0.0e+00;
	v43 =	vld [tilespmem:s25+$0xFFFFFF10];
	v25 =	vmul.f32 v48, v47;
	v31 =	vmul.f32 v46, v31  }
.LBB2_15:
0x282: {  	p0 =	slt.u32 s23, $0xC;
	v46 =	vld [tilespmem:s9+$0xFFFFFF20];
	v44 =	vadd.f32 v45, v44;
	v34 =	vmul.f32 v35, v34;
	v16 =	vmul.f32 v19, v16  }
0x283: {  	v35 =	vmul.f32 v40, v39;
	v39 =	vmul.f32 v42, v41;
	v19 =	vld [tilespmem:s22+$0xFFFFFF20]  }
0x284: {  	v14 =	vmul.f32 v15, v14;
	v29 =	vmul.f32 v30, v29;
	v15 =	vadd.f32 v34, v44;
	v30 =	vld [tilespmem:s22+$0x90]  }
0x285: {  	v32 =	vmul.f32 v33, v32;
	v18 =	vmul.f32 v20, v18;
	v35 =	vadd.f32 v39, v35;
	v34 =	vld [tilespmem:s22+$0xFFFFFF30]  }
0x286: {  	v20 =	vmul.f32 v37, v36;
	v33 =	vmul.f32 v43, v38;
	v15 =	vadd.f32 v29, v15;
	v29 =	vld [tilespmem:s22+$0xA0]  }
0x287: {  	v23 =	vmul.f32 v24, v23;
	v11 =	vmul.f32 v17, v11;
	v32 =	vadd.f32 v32, v35;
	v36 =	vld [tilespmem:s22+$0xFFFFFF40]  }
0x288: {  	v17 =	vadd.f32 v33, v20;
	v19 =	vmul.f32 v19, v46;
	v15 =	vadd.f32 v18, v15;
	v18 =	vld [tilespmem:s22+$0xB0]  }
0x289: {  	v24 =	vmul.f32 v27, v26;
	v23 =	vadd.f32 v23, v32;
	v20 =	vld [tilespmem:s22+$0xFFFFFF50];
	v26 =	vmul.f32 v30, v28  }
0x28a: {  	v17 =	vadd.f32 v19, v17;
	v19 =	vmul.f32 v34, v21;
	v15 =	vadd.f32 v16, v15;
	v16 =	vld [tilespmem:s22+$0xC0]  }
0x28b: {  	v11 =	vadd.f32 v11, v23;
	v21 =	vld [tilespmem:s22+$0xFFFFFF60];
	v23 =	vadd.f32 v26, v24;
	v12 =	vmul.f32 v29, v12  }
0x28c: {  	v17 =	vadd.f32 v19, v17;
	v10 =	vmul.f32 v36, v10;
	v15 =	vadd.f32 v31, v15;
	v19 =	vld [tilespmem:s22+$0xD0]  }
0x28d: {  	v11 =	vadd.f32 v14, v11;
	v24 =	vld [tilespmem:s22+$0xFFFFFF70];
	v12 =	vadd.f32 v12, v23;
	v9 =	vmul.f32 v18, v9  }
0x28e: {  	v10 =	vadd.f32 v10, v17;
	v8 =	vmul.f32 v20, v8;
	v14 =	vadd.f32 v22, v15;
	v15 =	vld [tilespmem:s22+$0xE0]  }
0x28f: {  	v11 =	vadd.f32 v25, v11;
	v9 =	vadd.f32 v9, v12;
	v7 =	vmul.f32 v16, v7;
	v12 =	vld [tilespmem:s9+$0xF0]  }
0x290: {  	s9 =	sadd.s32 $0x200, s9;
	v8 =	vadd.f32 v8, v10;
	v6 =	vmul.f32 v21, v6;
	v10 =	vld [tilespmem:s22+$0xF0];
	(xrf2) =	vadd.scan.msk.f32 $0xffff, v14  }
0x291: {  	v11 =	vadd.f32 v13, v11;
	s22 =	sadd.s32 $0x200, s22;
	v22 =	vld [tilespmem:s9+$0x70];
	v7 =	vadd.f32 v7, v9;
	v5 =	vmul.f32 v19, v5  }
0x292: {  	v25 =	vld [tilespmem:s22+$0x70];
	v6 =	vadd.f32 v6, v8;
	v3 =	vmul.f32 v24, v3  }
0x293: {  	v13 =	vld [tilespmem:s9+$0xFFFFFFF0];
	v5 =	vadd.f32 v5, v7;
	v7 =	vmul.f32 v15, v2;
	(xrf2) =	vadd.scan.msk.f32 $0xffff, v11  }
0x294: {  	v31 =	vld [tilespmem:s22+$0xFFFFFFF0];
	v6 =	vadd.f32 v3, v6  }
0x295: {  	v2 =	vld [tilespmem:s9+$0xE0];
	v5 =	vadd.f32 v7, v5;
	v7 =	vmul.f32 v10, v12  }
0x296: {  	v3 =	vld [tilespmem:s9+$0xFFFFFF70];
	(xrf2) =	vadd.scan.msk.f32 $0xffff, v6  }
0x297: {  	v46 =	vld [tilespmem:s9+$0x60];
	v5 =	vadd.f32 v7, v5  }
0x298: {  	v47 =	vld [tilespmem:s22+$0x60]  }
0x299: {  	v48 =	vld [tilespmem:s9+$0xFFFFFFE0];
	(xrf2) =	vadd.scan.msk.f32 $0xffff, v5  }
0x29a: {  	v49 =	vld [tilespmem:s22+$0xFFFFFFE0];
	v9, _, _ =	vpop (xrf2)  }
0x29b: {  	v5 =	vld [tilespmem:s9+$0xD0]  }
0x29c: {  	v6 =	vld [tilespmem:s9+$0xFFFFFF60]  }
0x29d: {  	v16 =	vld [tilespmem:s9+$0x50];
	v10, _, _ =	vpop (xrf2)  }
0x29e: {  	v19 =	vld [tilespmem:s22+$0x50]  }
0x29f: {  	v14 =	vld [tilespmem:s9+$0xFFFFFFD0]  }
0x2a0: {  	s10 =	sadd.s32 $0x2, s8;
	s11 =	sadd.s32 $0x3, s8;
	v11 =	vmov s8;
	v15 =	vld [tilespmem:s22+$0xFFFFFFD0];
	v8, _, _ =	vpop (xrf2)  }
0x2a1: {  	s13 =	sadd.s32 $0x1, s8;
	v17 =	vmov s10;
	v21 =	vmov s11;
	s8 =	smov.u32 s23;
	v7 =	vld [tilespmem:s9+$0xC0];
	v12 =	vbroadcast v8, $0xF  }
0x2a2: {  	v20 =	vmov s13;
	vm0 =	veq.s32 v11, v0;
	v10 =	vbroadcast v10, $0xF;
	v8 =	vld [tilespmem:s9+$0xFFFFFF50]  }
0x2a3: {  	v9 =	vbroadcast v9, $0xF;
	v18 =	vld [tilespmem:s9+$0x40];
	v4 =	vsel vm0, v12, v4;
	vm0 =	veq.s32 v20, v0;
	v11, _, _ =	vpop (xrf2)  }
0x2a4: {  	v20 =	vld [tilespmem:s22+$0x40];
	v4 =	vsel vm0, v10, v4;
	vm0 =	veq.s32 v17, v0;
	v10 =	vbroadcast v11, $0xF  }
0x2a5: {  	v11 =	vld [tilespmem:s9+$0xFFFFFFC0];
	v4 =	vsel vm0, v9, v4;
	vm0 =	veq.s32 v21, v0  }
0x2a6: {  	v17 =	vld [tilespmem:s22+$0xFFFFFFC0];
	v4 =	vsel vm0, v10, v4  }
0x2a7: {  	v9 =	vld [tilespmem:s9+$0xB0]  }
0x2a8: {  	v10 =	vld [tilespmem:s9+$0xFFFFFF40]  }
0x2a9: {  	v29 =	vld [tilespmem:s9+$0x30]  }
0x2aa: {  	v30 =	vld [tilespmem:s22+$0x30]  }
0x2ab: {  	v23 =	vld [tilespmem:s9+$0xFFFFFFB0]  }
0x2ac: {  	v24 =	vld [tilespmem:s22+$0xFFFFFFB0]  }
0x2ad: {  	v12 =	vld [tilespmem:s9+$0xA0]  }
0x2ae: {  	v21 =	vld [tilespmem:s9+$0xFFFFFF30]  }
0x2af: {  	v34 =	vld [tilespmem:s9+$0x20]  }
0x2b0: {  	v35 =	vld [tilespmem:s22+$0x20]  }
0x2b1: {  	v32 =	vld [tilespmem:s9+$0xFFFFFFA0]  }
0x2b2: {  	v33 =	vld [tilespmem:s22+$0xFFFFFFA0]  }
0x2b3: {  	v26 =	vld [tilespmem:s9+$0x80]  }
0x2b4: {  	v27 =	vld [tilespmem:s22+$0x80]  }
0x2b5: {  	v28 =	vld [tilespmem:s9+$0x90]  }
0x2b6: {  	v43 =	vld [tilespmem:s9+$0x0]  }
0x2b7: {  	v44 =	vld [tilespmem:s22+$0x0]  }
0x2b8: {  	v45 =	vld [tilespmem:s9+$0x10]  }
0x2b9: {  	v50 =	vld [tilespmem:s22+$0x10]  }
0x2ba: {  	v39 =	vld [tilespmem:s9+$0xFFFFFF80]  }
0x2bb: {  	v40 =	vld [tilespmem:s22+$0xFFFFFF80]  }
0x2bc: {  	v41 =	vld [tilespmem:s9+$0xFFFFFF90]  }
.Ltmp6:
0x2bd: {  	v42 =	vld [tilespmem:s22+$0xFFFFFF90];
	(pc) =	sbr.rel @p0 .LBB2_15-.Ltmp6, $4  }
0x2be: {  	v36 =	vld [tilespmem:s9+$0xFFFFFF00]  }
0x2bf: {  	v22 =	vmul.f32 v25, v22;
	v13 =	vmul.f32 v31, v13;
	v37 =	vld [tilespmem:s22+$0xFFFFFF00]  }
0x2c0: {  	v44 =	vmul.f32 v44, v43;
	v45 =	vmul.f32 v50, v45;
	v38 =	vld [tilespmem:s9+$0xFFFFFF10]  }
0x2c1: {  	s23 =	sadd.s32 $0x4, s23;
	v31 =	vmul.f32 v47, v46;
	v25 =	vmul.f32 v49, v48;
	v43 =	vld [tilespmem:s22+$0xFFFFFF10]  }
0x2c2: {  	v46 =	vld [tilespmem:s9+$0xFFFFFF20];
	v34 =	vmul.f32 v35, v34;
	v16 =	vmul.f32 v19, v16  }
0x2c3: {  	v53 =	vld [tilespmem:s22+$0xFFFFFF20];
	v54 =	vmul.f32 v40, v39;
	v55 =	vmul.f32 v42, v41  }
0x2c4: {  	v56 =	vld [tilespmem:s22+$0x90];
	v14 =	vmul.f32 v15, v14;
	v29 =	vmul.f32 v30, v29  }
0x2c5: {  	v58 =	vld [tilespmem:s22+$0xFFFFFF30];
	v32 =	vmul.f32 v33, v32;
	v18 =	vmul.f32 v20, v18  }
0x2c6: {  	v44 =	vadd.f32 v45, v44;
	v62 =	vld [tilespmem:s22+$0xA0];
	v60 =	vmul.f32 v37, v36;
	v61 =	vmul.f32 v43, v38  }
0x2c7: {  	v63 =	vld [tilespmem:s22+$0xFFFFFF40];
	v23 =	vmul.f32 v24, v23;
	v26 =	vmul.f32 v27, v26;
	v59 =	vadd.f32 v55, v54  }
0x2c8: {  	v57 =	vadd.f32 v34, v44;
	v38 =	vld [tilespmem:s22+$0xB0];
	v19 =	vmul.f32 v53, v46;
	v36 =	vadd.f32 v61, v60  }
0x2c9: {  	v39 =	vld [tilespmem:s22+$0xFFFFFF50];
	v11 =	vmul.f32 v17, v11;
	v32 =	vadd.f32 v32, v59;
	v41 =	vmul.f32 v56, v28  }
0x2ca: {  	v44 =	vld [tilespmem:s22+$0xC0];
	v15 =	vadd.f32 v29, v57;
	v43 =	vmul.f32 v58, v21;
	v42 =	vadd.f32 v19, v36  }
0x2cb: {  	v45 =	vld [tilespmem:s22+$0xFFFFFF60];
	v12 =	vmul.f32 v62, v12;
	v23 =	vadd.f32 v23, v32;
	v26 =	vadd.f32 v41, v26  }
0x2cc: {  	v10 =	vmul.f32 v63, v10;
	v46 =	vld [tilespmem:s22+$0xD0];
	v15 =	vadd.f32 v18, v15;
	v17 =	vadd.f32 v43, v42  }
0x2cd: {  	v47 =	vld [tilespmem:s22+$0xFFFFFF70];
	v11 =	vadd.f32 v11, v23;
	v12 =	vadd.f32 v12, v26;
	v9 =	vmul.f32 v38, v9  }
0x2ce: {  	v48 =	vld [tilespmem:s22+$0xE0];
	v8 =	vmul.f32 v39, v8;
	v15 =	vadd.f32 v16, v15;
	v10 =	vadd.f32 v10, v17  }
0x2cf: {  	v49 =	vld [tilespmem:s9+$0xF0];
	v7 =	vmul.f32 v44, v7;
	v11 =	vadd.f32 v14, v11;
	v9 =	vadd.f32 v9, v12  }
0x2d0: {  	v51 =	vld [tilespmem:s22+$0xF0];
	v6 =	vmul.f32 v45, v6;
	v50 =	vadd.f32 v31, v15;
	v8 =	vadd.f32 v8, v10  }
0x2d1: {  	v5 =	vmul.f32 v46, v5;
	v11 =	vadd.f32 v25, v11;
	v7 =	vadd.f32 v7, v9  }
0x2d2: {  	v3 =	vmul.f32 v47, v3;
	v52 =	vadd.f32 v22, v50;
	v6 =	vadd.f32 v6, v8  }
0x2d3: {  	v2 =	vmul.f32 v48, v2;
	v53 =	vadd.f32 v13, v11;
	v5 =	vadd.f32 v5, v7  }
0x2d4: {  	(xrf2) =	vadd.scan.msk.f32 $0xffff, v52;
	v3 =	vadd.f32 v3, v6  }
0x2d5: {  	v54 =	vmul.f32 v51, v49;
	(xrf2) =	vadd.scan.msk.f32 $0xffff, v53;
	v2 =	vadd.f32 v2, v5  }
0x2d6: {  	(xrf2) =	vadd.scan.msk.f32 $0xffff, v3  }
0x2d7: {  	v2 =	vadd.f32 v54, v2;
	_ =	sdelay $0x1  }
0x2d8: {  	(xrf2) =	vadd.scan.msk.f32 $0xffff, v2;
	_ =	sdelay $0x4  }
0x2d9: {  	v2, _, _ =	vpop (xrf2)  }
0x2da: {  	v3, _, _ =	vpop (xrf2)  }
0x2db: {  	s23 =	sadd.s32 $0x1, s8;
	v55 =	vmov s8;
	v56, _, _ =	vpop (xrf2)  }
0x2dc: {  	s10 =	sadd.s32 $0x3, s8;
	vm0 =	veq.s32 v55, v0;
	v59 =	vmov s23;
	v6 =	vbroadcast v56, $0xF  }
0x2dd: {  	s22 =	sadd.s32 $0x2, s8;
	v58 =	vmov s10;
	vm13 =	veq.s32 v59, v0;
	v60 =	vld [tilespmem:s7+$0x18400];
	v3 =	vbroadcast v3, $0xF  }
0x2de: {  	v57 =	vmov s22;
	v2 =	vbroadcast v2, $0xF;
	v61, _, _ =	vpop (xrf2);
	v4 =	vsel vm0, v6, v4  }
0x2df: {  	v63 =	vld [tilespmem:s7+$0x18480];
	vm14 =	veq.s32 v57, v0;
	v62 =	vbroadcast v61, $0xF;
	v3 =	vsel vm13, v3, v4  }
0x2e0: {  	vm15 =	veq.s32 v58, v0;
	v2 =	vsel vm14, v2, v3  }
0x2e1: {  	v2 =	vsel vm15, v62, v2  }
0x2e2: {  	v2 =	vadd.f32 v60, v2;
	_ =	sdelay $0x1  }
0x2e3: {  	v2 =	vadd.f32 v63, v2;
	_ =	sdelay $0x1  }
0x2e4: {  	v2 =	vadd.f32 v2, v1;
	_ =	sdelay $0x1  }
0x2e5: {  	v2 =	vsub.f32 $0.0e+00, v2;
	_ =	sdelay $0x1  }
0x2e6: {  	v2 =	vmul.f32 $1.442695020e+00, v2;
	_ =	sdelay $0x1  }
0x2e7: {  	(erf) = vpow2.f32 v2;
	_ =	sdelay $0x8  }
0x2e8: {  	v2 =	vpop (erf)  }
0x2e9: {  	v2 =	vadd.f32 $1.000000000e+00, v2;
	_ =	sdelay $0x1  }
0x2ea: {  	(erf) = vrcp.f32 v2;
	_ =	sdelay $0x7  }
0x2eb: {  	s21 =	sadd.s32 $0x1, s21  }
0x2ec: {  	p0 =	sne.s32 s21, $0x8;
	v2 =	vpop (erf)  }
.Ltmp7:
0x2ed: {  	v2 =	vmul.f32 $4.000000000e+00, v2;
	(pc) =	sbr.rel @p0 .LBB2_14-.Ltmp7, $3  }
0x2ee: {  	_ = 	snop  }
0x2ef: {  	v2 =	vadd.f32 $1.000000000e+00, v2;
	_ =	sdelay $0x1  }
0x2f0: {  	s25 =	sadd.s32 $0x800, s25;
	s28 =	sadd.s32 $0x800, s28;
	[tilespmem:s7+$0x18880] =	vst v2  }
0x2f1: {  	s7 =	rddreg [dreg:$0xc];
	s8 =	simm.s32 $0x18700  }
0x2f2: {  	[hbm4b:s7+s5] =	stream.linear.scatter [tilespmem:s8], [sflag:$0xD], $0x200, $0x38;
	[tilespmem:$0x18980] =	vst v63  }
0x2f3: {  	_ =	swait.ge [sflag:s12], $0x200  }
0x2f4: {  	s19 =	sadd.s32 $0x1, s19;
	s28 =	rddreg [dreg:$0xd]  }
0x2f5: {  	p0 =	sne.s32 s19, s28  }
.Ltmp8:
0x2f6: {  	_ = 	snop;
	(pc) =	sbr.rel @p0 .LBB2_1-.Ltmp8, $3  }
0x2f7: {  	_ =	sdelay $0x1  }
0x2f8: {  	[sflag:s12] =	ssyncset.done $0x0  }
0x2f9: {  	[sflag:s12] =	ssyncadd.s32 $0xFFFFFE00  }
0x2fa: {  	_ =	sfence.sel $0x180000  }
0x2fb: {  	[bflag:$0x0] =	sbarrier.arrive $0xFFFF  }
0x2fc: {  	_ =	strace $0x90000047  }
0x2fd: {  	s0 =	stileid.u32;
	[bflag:$0x2] =	sbarrier.arrive $0xFFFF  }
0x2fe: {  	p0 =	sne.s32 s0, $0x0;
	s0 =	rddreg [dreg:$0x8]  }
0x2ff: {  	s0 =	sadd.s32 @!p0 $0x100000, s0  }
0x300: {  	[sflag:s0] =	ssyncadd.tile.s32 @!p0 $0x1;
	_ =	shalt  }
.Lfunc_end2:
_tile_overlayer_lowered:
.L_overlay_start_2:
0x301: {  	(tag) =	ssettag $0x2  }
0x302: {  	s0 =	rddreg [dreg:$0x0];
	s2 =	stileid.u32  }
0x303: {  	s1 =	rddreg [dreg:$0x1];
	p0 =	sne.s32 s2, $0x0  }
0x304: {  	s3 =	rddreg [dreg:$0x2];
	[bflag:$0x3] =	sbarrier.arrive $0xFFFF;
	s2 =	simm.s32 @!p0 $0x1C0D  }
0x305: {  	[timem:s3], [sflag:s2] =	dma.local @!p0 [hbm:s0], s1  }
0x306: {  	s0 =	simm.s32 @!p0 $0xD  }
0x307: {  	_ =	swait.ge @!p0 [sflag:s0], s1  }
0x308: {  	s1 =	ssub.s32 @!p0 $0x0, s1;
	[sflag:s0] =	ssyncset.done @!p0 $0x0  }
0x309: {  	[sflag:s0] =	ssyncadd.s32 @!p0 s1  }
0x30a: {  	[bflag:$0x3] =	sbarrier.arrive $0xFFFF  }
0x30b: {  	_ =	shalt  }

</sc_bundles>
